<compile_context>
chip_gen: v7x
topology: tpu7x:2x2x1
jax: 0.10.2.dev20260603
libtpu: 0.0.44.dev20260713+nightly
codegen_flags: <defaults>
</compile_context>

<pallas_src>
import functools

import jax
import jax.numpy as jnp
from jax import lax
from jax.experimental import pallas as pl
from jax.experimental.pallas import tpu as pltpu
from jax.experimental.pallas import tpu_sc as plsc

VOCAB = 1000000
N_EMBD = 1024
R = 128

NUM_CORES = 2
NUM_SUBCORES = 16
NW = NUM_CORES * NUM_SUBCORES

def _make_gather(B):
  assert B % (8 * NW) == 0
  b_per_w = B // NW
  CHUNK = max(c for c in range(8, 81, 8) if b_per_w % c == 0)
  assert b_per_w % CHUNK == 0
  n_chunks = b_per_w // CHUNK
  mesh = plsc.VectorSubcoreMesh(core_axis_name="c", subcore_axis_name="s")

  @functools.partial(
      pl.kernel,
      out_type=jax.ShapeDtypeStruct((B, R), jnp.float32),
      mesh=mesh,
      compiler_params=pltpu.CompilerParams(use_tc_tiling_on_sc=True),
      scratch_types=[
          pltpu.VMEM((b_per_w,), jnp.int32),
          pltpu.VMEM((CHUNK, R), jnp.float32),
          pltpu.SemaphoreType.DMA,
      ],
  )
  def gather(table_hbm, idx_hbm, out_hbm, idx_v, rows_v, gsem):
    wid = lax.axis_index("s") * NUM_CORES + lax.axis_index("c")
    base = wid * b_per_w
    pltpu.sync_copy(idx_hbm.at[pl.ds(base, b_per_w)], idx_v)
    for c in range(n_chunks):
      pltpu.async_copy(table_hbm.at[idx_v.at[pl.ds(c * CHUNK, CHUNK)]],
                       rows_v, gsem).wait()
      pltpu.sync_copy(rows_v, out_hbm.at[pl.ds(base + c * CHUNK, CHUNK)])

  return gather


def _proj_body(L, Lp, G, h_ref, w_ref, o_ref):
  y2 = lax.dot_general(
      h_ref[...], w_ref[...],
      dimension_numbers=(((1,), (1,)), ((), ())),
      preferred_element_type=jnp.float32)
  o_ref[...] = y2.reshape(G, Lp, N_EMBD)[:, :L, :]


def _proj_body_alias(L, Lp, G, y_any, h_ref, w_ref, o_ref):
  del y_any
  _proj_body(L, Lp, G, h_ref, w_ref, o_ref)


def _project_phase(y_prev, h, w, Bo, L, Lp, seq0, nseq, G):
  assert nseq % G == 0 and seq0 % G == 0
  out_shape = jax.ShapeDtypeStruct((Bo, L, N_EMBD), jnp.float32)
  p0 = seq0 // G
  common = dict(
      grid=(nseq // G,),
      out_specs=pl.BlockSpec((G, L, N_EMBD), lambda i: (i + p0, 0, 0)),
      out_shape=out_shape,
      compiler_params=pltpu.CompilerParams(
          dimension_semantics=("parallel",)),
  )
  h_spec = pl.BlockSpec((G * Lp, R), lambda i: (i, 0))
  w_spec = pl.BlockSpec((N_EMBD, R), lambda i: (0, 0))
  if y_prev is None:
    return pl.pallas_call(
        functools.partial(_proj_body, L, Lp, G),
        in_specs=[h_spec, w_spec],
        **common,
    )(h, w)
  return pl.pallas_call(
      functools.partial(_proj_body_alias, L, Lp, G),
      in_specs=[pl.BlockSpec(memory_space=pl.ANY), h_spec, w_spec],
      input_output_aliases={0: 0},
      **common,
  )(y_prev, h, w)


N_PHASES = 4


def kernel(x, embed_in_weight, embed_out_weight):
  Bo, L = x.shape
  Lp = -(-L // 8) * 8
  xi = x.astype(jnp.int32)
  pad_idx = (jnp.arange(Bo * (Lp - L), dtype=jnp.int32) % VOCAB).reshape(
      Bo, Lp - L)
  xp = jnp.concatenate([xi, pad_idx], axis=1)
  nseq = Bo // N_PHASES
  gather = _make_gather(nseq * Lp)
  hs = [gather(embed_in_weight, xp[p * nseq:(p + 1) * nseq].reshape(-1))
        for p in range(N_PHASES)]
  y = None
  for p in range(N_PHASES):
    y = _project_phase(y, hs[p], embed_out_weight, Bo, L, Lp,
                       seq0=p * nseq, nseq=nseq, G=64)
  return y

# --- scband reference (transcript-rebuilt; emitter-appended) ---
"""Pipeline reference for scband-factorized-embedding-90572270338746 (READ-ONLY COPY).

The authoritative reference and input builder live on the scoring server;
editing this copy changes nothing except your own understanding.
"""

import jax, jax.numpy as jnp
import numpy as np
import math

VOCAB = 1000000
N_EMBD = 1024
R = 128

def setup_inputs(seed: int = 0) -> dict:
    key = jax.random.key(seed)
    k1, k2, k3 = jax.random.split(key, 3)
    x = jax.random.randint(k1, (1024, 50), 0, VOCAB, dtype=jnp.int64 if jax.config.jax_enable_x64 else jnp.int32)
    embed_in_weight = jax.random.normal(k2, (VOCAB, R), dtype=jnp.float32) * 0.02
    embed_out_weight = jax.random.normal(k3, (N_EMBD, R), dtype=jnp.float32) * (0.02 / math.sqrt(2))
    return {"x": x, "embed_in_weight": embed_in_weight, "embed_out_weight": embed_out_weight}

def reference(x, embed_in_weight, embed_out_weight):
    # nn.Embedding lookup: gather rows of the factorized table
    h = jnp.take(embed_in_weight, x, axis=0)  # [B, L, r]
    # nn.Linear(r, n_embd, bias=False): y = h @ W.T where W is [n_embd, r]
    y = jnp.einsum('blr,dr->bld', h, embed_out_weight)  # [B, L, n_embd]
    return y

if __name__ == "__main__":
    import jax
    _d = setup_inputs()
    print(jax.jit(kernel)(*tuple(_d.values())))

</pallas_src>

<mosaic_0001>
#map = affine_map<(d0, d1) -> (0, 0)>
#map1 = affine_map<(d0, d1) -> (0)>
module attributes {stable_mosaic.version = 14 : i64} {
  func.func @gather(%arg0: i32, %arg1: i32, %arg2: memref<1000000x128xf32, #tpu.memory_space<hbm>>, %arg3: memref<14336xi32, #tpu.memory_space<hbm>>, %arg4: memref<14336x128xf32, #tpu.memory_space<hbm>>, %arg5: memref<448xi32, #tpu.memory_space<vmem>>, %arg6: memref<64x128xf32, #tpu.memory_space<vmem>>, %arg7: memref<!tpu.dma_semaphore, #tpu.memory_space<semaphore_mem>>) attributes {dimension_semantics = [#tpu.dimension_semantics<core_parallel>, #tpu.dimension_semantics<subcore_parallel>], iteration_bounds = array<i64: 2, 16>, scalar_prefetch = 0 : i64, scratch_operands = 3 : i64, tpu.core_type = #tpu.core_type<sc_vector_subcore>, window_params = [{transform_indices = #map}, {transform_indices = #map1}, {transform_indices = #map}]} {
    %mul3A = arith.constant 2 : i32
    %mul3A_0 = arith.muli %arg1, %mul3A : i32
    %add3A = arith.addi %mul3A_0, %arg0 : i32
    %mul3A_1 = arith.constant 448 : i32
    %mul3A_2 = arith.muli %add3A, %mul3A_1 : i32
    "tpu.region"() ({
      %run_scoped3A = tpu.sem_alloc : memref<!tpu.dma_semaphore, #tpu.memory_space<semaphore_mem>>
      %dma_start3A_85 = tpu.memref_slice %arg3[%mul3A_2] : memref<14336xi32, #tpu.memory_space<hbm>> -> memref<448xi32, #tpu.memory_space<hbm>>
      %dma_start3A_86 = tpu.memref_slice %arg3[%mul3A_2] : memref<14336xi32, #tpu.memory_space<hbm>> -> memref<448xi32, #tpu.memory_space<hbm>>
      tpu.enqueue_dma source(%dma_start3A_86 : memref<448xi32, #tpu.memory_space<hbm>>) target(%arg5 : memref<448xi32, #tpu.memory_space<vmem>>) target_semaphore(%run_scoped3A : memref<!tpu.dma_semaphore, #tpu.memory_space<semaphore_mem>>)
      %dma_wait3A_87 = tpu.memref_slice %arg3[%mul3A_2] : memref<14336xi32, #tpu.memory_space<hbm>> -> memref<448xi32, #tpu.memory_space<hbm>>
      %dma_wait3A_88 = tpu.memref_slice %arg3[%mul3A_2] : memref<14336xi32, #tpu.memory_space<hbm>> -> memref<448xi32, #tpu.memory_space<hbm>>
      tpu.wait_dma2 semaphore(%run_scoped3A : memref<!tpu.dma_semaphore, #tpu.memory_space<semaphore_mem>>) src(%dma_wait3A_88 : memref<448xi32, #tpu.memory_space<hbm>>) dst(%arg5 : memref<448xi32, #tpu.memory_space<vmem>>)
      tpu.yield
    }) : () -> ()
    %dma_start3A = arith.constant 0 : i32
    %dma_start3A_3 = tpu.memref_slice %arg5[%dma_start3A] : memref<448xi32, #tpu.memory_space<vmem>> -> memref<64xi32, #tpu.memory_space<vmem>>
    %dma_start3A_4 = arith.constant 0 : i32
    %dma_start3A_5 = arith.constant 0 : i32
    %dma_start3A_6 = tpu.memref_slice %arg2[%dma_start3A_4, %dma_start3A_5] : memref<1000000x128xf32, #tpu.memory_space<hbm>> -> memref<1000000x128xf32, #tpu.memory_space<hbm>>
    tpu.enqueue_indirect_dma source(%dma_start3A_6 : memref<1000000x128xf32, #tpu.memory_space<hbm>>) target(%arg6 : memref<64x128xf32, #tpu.memory_space<vmem>>) offsets(%dma_start3A_3 : memref<64xi32, #tpu.memory_space<vmem>>) semaphore(%arg7 : memref<!tpu.dma_semaphore, #tpu.memory_space<semaphore_mem>>)
    %dma_wait3A = arith.constant 0 : i32
    %dma_wait3A_7 = tpu.memref_slice %arg5[%dma_wait3A] : memref<448xi32, #tpu.memory_space<vmem>> -> memref<64xi32, #tpu.memory_space<vmem>>
    %dma_wait3A_8 = arith.constant 0 : i32
    %dma_wait3A_9 = arith.constant 0 : i32
    %dma_wait3A_10 = tpu.memref_slice %arg2[%dma_wait3A_8, %dma_wait3A_9] : memref<1000000x128xf32, #tpu.memory_space<hbm>> -> memref<1000000x128xf32, #tpu.memory_space<hbm>>
    tpu.wait_indirect_dma semaphore(%arg7 : memref<!tpu.dma_semaphore, #tpu.memory_space<semaphore_mem>>) src(%dma_wait3A_10 : memref<1000000x128xf32, #tpu.memory_space<hbm>>) dst(%arg6 : memref<64x128xf32, #tpu.memory_space<vmem>>)
    %add3A_11 = arith.constant 0 : i32
    %add3A_12 = arith.addi %mul3A_2, %add3A_11 : i32
    "tpu.region"() ({
      %run_scoped3A = tpu.sem_alloc : memref<!tpu.dma_semaphore, #tpu.memory_space<semaphore_mem>>
      %dma_start3A_85 = arith.constant 0 : i32
      %dma_start3A_86 = tpu.memref_slice %arg4[%add3A_12, %dma_start3A_85] : memref<14336x128xf32, #tpu.memory_space<hbm>> -> memref<64x128xf32, #tpu.memory_space<hbm>>
      %dma_start3A_87 = arith.constant 0 : i32
      %dma_start3A_88 = tpu.memref_slice %arg4[%add3A_12, %dma_start3A_87] : memref<14336x128xf32, #tpu.memory_space<hbm>> -> memref<64x128xf32, #tpu.memory_space<hbm>>
      tpu.enqueue_dma source(%arg6 : memref<64x128xf32, #tpu.memory_space<vmem>>) target(%dma_start3A_88 : memref<64x128xf32, #tpu.memory_space<hbm>>) target_semaphore(%run_scoped3A : memref<!tpu.dma_semaphore, #tpu.memory_space<semaphore_mem>>)
      %dma_wait3A_89 = arith.constant 0 : i32
      %dma_wait3A_90 = tpu.memref_slice %arg4[%add3A_12, %dma_wait3A_89] : memref<14336x128xf32, #tpu.memory_space<hbm>> -> memref<64x128xf32, #tpu.memory_space<hbm>>
      %dma_wait3A_91 = arith.constant 0 : i32
      %dma_wait3A_92 = tpu.memref_slice %arg4[%add3A_12, %dma_wait3A_91] : memref<14336x128xf32, #tpu.memory_space<hbm>> -> memref<64x128xf32, #tpu.memory_space<hbm>>
      tpu.wait_dma2 semaphore(%run_scoped3A : memref<!tpu.dma_semaphore, #tpu.memory_space<semaphore_mem>>) src(%arg6 : memref<64x128xf32, #tpu.memory_space<vmem>>) dst(%dma_wait3A_92 : memref<64x128xf32, #tpu.memory_space<hbm>>)
      tpu.yield
    }) : () -> ()
    %dma_start3A_13 = arith.constant 64 : i32
    %dma_start3A_14 = tpu.memref_slice %arg5[%dma_start3A_13] : memref<448xi32, #tpu.memory_space<vmem>> -> memref<64xi32, #tpu.memory_space<vmem>>
    %dma_start3A_15 = arith.constant 0 : i32
    %dma_start3A_16 = arith.constant 0 : i32
    %dma_start3A_17 = tpu.memref_slice %arg2[%dma_start3A_15, %dma_start3A_16] : memref<1000000x128xf32, #tpu.memory_space<hbm>> -> memref<1000000x128xf32, #tpu.memory_space<hbm>>
    tpu.enqueue_indirect_dma source(%dma_start3A_17 : memref<1000000x128xf32, #tpu.memory_space<hbm>>) target(%arg6 : memref<64x128xf32, #tpu.memory_space<vmem>>) offsets(%dma_start3A_14 : memref<64xi32, #tpu.memory_space<vmem>>) semaphore(%arg7 : memref<!tpu.dma_semaphore, #tpu.memory_space<semaphore_mem>>)
    %dma_wait3A_18 = arith.constant 64 : i32
    %dma_wait3A_19 = tpu.memref_slice %arg5[%dma_wait3A_18] : memref<448xi32, #tpu.memory_space<vmem>> -> memref<64xi32, #tpu.memory_space<vmem>>
    %dma_wait3A_20 = arith.constant 0 : i32
    %dma_wait3A_21 = arith.constant 0 : i32
    %dma_wait3A_22 = tpu.memref_slice %arg2[%dma_wait3A_20, %dma_wait3A_21] : memref<1000000x128xf32, #tpu.memory_space<hbm>> -> memref<1000000x128xf32, #tpu.memory_space<hbm>>
    tpu.wait_indirect_dma semaphore(%arg7 : memref<!tpu.dma_semaphore, #tpu.memory_space<semaphore_mem>>) src(%dma_wait3A_22 : memref<1000000x128xf32, #tpu.memory_space<hbm>>) dst(%arg6 : memref<64x128xf32, #tpu.memory_space<vmem>>)
    %add3A_23 = arith.constant 64 : i32
    %add3A_24 = arith.addi %mul3A_2, %add3A_23 : i32
    "tpu.region"() ({
      %run_scoped3A = tpu.sem_alloc : memref<!tpu.dma_semaphore, #tpu.memory_space<semaphore_mem>>
      %dma_start3A_85 = arith.constant 0 : i32
      %dma_start3A_86 = tpu.memref_slice %arg4[%add3A_24, %dma_start3A_85] : memref<14336x128xf32, #tpu.memory_space<hbm>> -> memref<64x128xf32, #tpu.memory_space<hbm>>
      %dma_start3A_87 = arith.constant 0 : i32
      %dma_start3A_88 = tpu.memref_slice %arg4[%add3A_24, %dma_start3A_87] : memref<14336x128xf32, #tpu.memory_space<hbm>> -> memref<64x128xf32, #tpu.memory_space<hbm>>
      tpu.enqueue_dma source(%arg6 : memref<64x128xf32, #tpu.memory_space<vmem>>) target(%dma_start3A_88 : memref<64x128xf32, #tpu.memory_space<hbm>>) target_semaphore(%run_scoped3A : memref<!tpu.dma_semaphore, #tpu.memory_space<semaphore_mem>>)
      %dma_wait3A_89 = arith.constant 0 : i32
      %dma_wait3A_90 = tpu.memref_slice %arg4[%add3A_24, %dma_wait3A_89] : memref<14336x128xf32, #tpu.memory_space<hbm>> -> memref<64x128xf32, #tpu.memory_space<hbm>>
      %dma_wait3A_91 = arith.constant 0 : i32
      %dma_wait3A_92 = tpu.memref_slice %arg4[%add3A_24, %dma_wait3A_91] : memref<14336x128xf32, #tpu.memory_space<hbm>> -> memref<64x128xf32, #tpu.memory_space<hbm>>
      tpu.wait_dma2 semaphore(%run_scoped3A : memref<!tpu.dma_semaphore, #tpu.memory_space<semaphore_mem>>) src(%arg6 : memref<64x128xf32, #tpu.memory_space<vmem>>) dst(%dma_wait3A_92 : memref<64x128xf32, #tpu.memory_space<hbm>>)
      tpu.yield
    }) : () -> ()
    %dma_start3A_25 = arith.constant 128 : i32
    %dma_start3A_26 = tpu.memref_slice %arg5[%dma_start3A_25] : memref<448xi32, #tpu.memory_space<vmem>> -> memref<64xi32, #tpu.memory_space<vmem>>
    %dma_start3A_27 = arith.constant 0 : i32
    %dma_start3A_28 = arith.constant 0 : i32
    %dma_start3A_29 = tpu.memref_slice %arg2[%dma_start3A_27, %dma_start3A_28] : memref<1000000x128xf32, #tpu.memory_space<hbm>> -> memref<1000000x128xf32, #tpu.memory_space<hbm>>
    tpu.enqueue_indirect_dma source(%dma_start3A_29 : memref<1000000x128xf32, #tpu.memory_space<hbm>>) target(%arg6 : memref<64x128xf32, #tpu.memory_space<vmem>>) offsets(%dma_start3A_26 : memref<64xi32, #tpu.memory_space<vmem>>) semaphore(%arg7 : memref<!tpu.dma_semaphore, #tpu.memory_space<semaphore_mem>>)
    %dma_wait3A_30 = arith.constant 128 : i32
    %dma_wait3A_31 = tpu.memref_slice %arg5[%dma_wait3A_30] : memref<448xi32, #tpu.memory_space<vmem>> -> memref<64xi32, #tpu.memory_space<vmem>>
    %dma_wait3A_32 = arith.constant 0 : i32
    %dma_wait3A_33 = arith.constant 0 : i32
    %dma_wait3A_34 = tpu.memref_slice %arg2[%dma_wait3A_32, %dma_wait3A_33] : memref<1000000x128xf32, #tpu.memory_space<hbm>> -> memref<1000000x128xf32, #tpu.memory_space<hbm>>
    tpu.wait_indirect_dma semaphore(%arg7 : memref<!tpu.dma_semaphore, #tpu.memory_space<semaphore_mem>>) src(%dma_wait3A_34 : memref<1000000x128xf32, #tpu.memory_space<hbm>>) dst(%arg6 : memref<64x128xf32, #tpu.memory_space<vmem>>)
    %add3A_35 = arith.constant 128 : i32
    %add3A_36 = arith.addi %mul3A_2, %add3A_35 : i32
    "tpu.region"() ({
      %run_scoped3A = tpu.sem_alloc : memref<!tpu.dma_semaphore, #tpu.memory_space<semaphore_mem>>
      %dma_start3A_85 = arith.constant 0 : i32
      %dma_start3A_86 = tpu.memref_slice %arg4[%add3A_36, %dma_start3A_85] : memref<14336x128xf32, #tpu.memory_space<hbm>> -> memref<64x128xf32, #tpu.memory_space<hbm>>
      %dma_start3A_87 = arith.constant 0 : i32
      %dma_start3A_88 = tpu.memref_slice %arg4[%add3A_36, %dma_start3A_87] : memref<14336x128xf32, #tpu.memory_space<hbm>> -> memref<64x128xf32, #tpu.memory_space<hbm>>
      tpu.enqueue_dma source(%arg6 : memref<64x128xf32, #tpu.memory_space<vmem>>) target(%dma_start3A_88 : memref<64x128xf32, #tpu.memory_space<hbm>>) target_semaphore(%run_scoped3A : memref<!tpu.dma_semaphore, #tpu.memory_space<semaphore_mem>>)
      %dma_wait3A_89 = arith.constant 0 : i32
      %dma_wait3A_90 = tpu.memref_slice %arg4[%add3A_36, %dma_wait3A_89] : memref<14336x128xf32, #tpu.memory_space<hbm>> -> memref<64x128xf32, #tpu.memory_space<hbm>>
      %dma_wait3A_91 = arith.constant 0 : i32
      %dma_wait3A_92 = tpu.memref_slice %arg4[%add3A_36, %dma_wait3A_91] : memref<14336x128xf32, #tpu.memory_space<hbm>> -> memref<64x128xf32, #tpu.memory_space<hbm>>
      tpu.wait_dma2 semaphore(%run_scoped3A : memref<!tpu.dma_semaphore, #tpu.memory_space<semaphore_mem>>) src(%arg6 : memref<64x128xf32, #tpu.memory_space<vmem>>) dst(%dma_wait3A_92 : memref<64x128xf32, #tpu.memory_space<hbm>>)
      tpu.yield
    }) : () -> ()
    %dma_start3A_37 = arith.constant 192 : i32
    %dma_start3A_38 = tpu.memref_slice %arg5[%dma_start3A_37] : memref<448xi32, #tpu.memory_space<vmem>> -> memref<64xi32, #tpu.memory_space<vmem>>
    %dma_start3A_39 = arith.constant 0 : i32
    %dma_start3A_40 = arith.constant 0 : i32
    %dma_start3A_41 = tpu.memref_slice %arg2[%dma_start3A_39, %dma_start3A_40] : memref<1000000x128xf32, #tpu.memory_space<hbm>> -> memref<1000000x128xf32, #tpu.memory_space<hbm>>
    tpu.enqueue_indirect_dma source(%dma_start3A_41 : memref<1000000x128xf32, #tpu.memory_space<hbm>>) target(%arg6 : memref<64x128xf32, #tpu.memory_space<vmem>>) offsets(%dma_start3A_38 : memref<64xi32, #tpu.memory_space<vmem>>) semaphore(%arg7 : memref<!tpu.dma_semaphore, #tpu.memory_space<semaphore_mem>>)
    %dma_wait3A_42 = arith.constant 192 : i32
    %dma_wait3A_43 = tpu.memref_slice %arg5[%dma_wait3A_42] : memref<448xi32, #tpu.memory_space<vmem>> -> memref<64xi32, #tpu.memory_space<vmem>>
    %dma_wait3A_44 = arith.constant 0 : i32
    %dma_wait3A_45 = arith.constant 0 : i32
    %dma_wait3A_46 = tpu.memref_slice %arg2[%dma_wait3A_44, %dma_wait3A_45] : memref<1000000x128xf32, #tpu.memory_space<hbm>> -> memref<1000000x128xf32, #tpu.memory_space<hbm>>
    tpu.wait_indirect_dma semaphore(%arg7 : memref<!tpu.dma_semaphore, #tpu.memory_space<semaphore_mem>>) src(%dma_wait3A_46 : memref<1000000x128xf32, #tpu.memory_space<hbm>>) dst(%arg6 : memref<64x128xf32, #tpu.memory_space<vmem>>)
    %add3A_47 = arith.constant 192 : i32
    %add3A_48 = arith.addi %mul3A_2, %add3A_47 : i32
    "tpu.region"() ({
      %run_scoped3A = tpu.sem_alloc : memref<!tpu.dma_semaphore, #tpu.memory_space<semaphore_mem>>
      %dma_start3A_85 = arith.constant 0 : i32
      %dma_start3A_86 = tpu.memref_slice %arg4[%add3A_48, %dma_start3A_85] : memref<14336x128xf32, #tpu.memory_space<hbm>> -> memref<64x128xf32, #tpu.memory_space<hbm>>
      %dma_start3A_87 = arith.constant 0 : i32
      %dma_start3A_88 = tpu.memref_slice %arg4[%add3A_48, %dma_start3A_87] : memref<14336x128xf32, #tpu.memory_space<hbm>> -> memref<64x128xf32, #tpu.memory_space<hbm>>
      tpu.enqueue_dma source(%arg6 : memref<64x128xf32, #tpu.memory_space<vmem>>) target(%dma_start3A_88 : memref<64x128xf32, #tpu.memory_space<hbm>>) target_semaphore(%run_scoped3A : memref<!tpu.dma_semaphore, #tpu.memory_space<semaphore_mem>>)
      %dma_wait3A_89 = arith.constant 0 : i32
      %dma_wait3A_90 = tpu.memref_slice %arg4[%add3A_48, %dma_wait3A_89] : memref<14336x128xf32, #tpu.memory_space<hbm>> -> memref<64x128xf32, #tpu.memory_space<hbm>>
      %dma_wait3A_91 = arith.constant 0 : i32
      %dma_wait3A_92 = tpu.memref_slice %arg4[%add3A_48, %dma_wait3A_91] : memref<14336x128xf32, #tpu.memory_space<hbm>> -> memref<64x128xf32, #tpu.memory_space<hbm>>
      tpu.wait_dma2 semaphore(%run_scoped3A : memref<!tpu.dma_semaphore, #tpu.memory_space<semaphore_mem>>) src(%arg6 : memref<64x128xf32, #tpu.memory_space<vmem>>) dst(%dma_wait3A_92 : memref<64x128xf32, #tpu.memory_space<hbm>>)
      tpu.yield
    }) : () -> ()
    %dma_start3A_49 = arith.constant 256 : i32
    %dma_start3A_50 = tpu.memref_slice %arg5[%dma_start3A_49] : memref<448xi32, #tpu.memory_space<vmem>> -> memref<64xi32, #tpu.memory_space<vmem>>
    %dma_start3A_51 = arith.constant 0 : i32
    %dma_start3A_52 = arith.constant 0 : i32
    %dma_start3A_53 = tpu.memref_slice %arg2[%dma_start3A_51, %dma_start3A_52] : memref<1000000x128xf32, #tpu.memory_space<hbm>> -> memref<1000000x128xf32, #tpu.memory_space<hbm>>
    tpu.enqueue_indirect_dma source(%dma_start3A_53 : memref<1000000x128xf32, #tpu.memory_space<hbm>>) target(%arg6 : memref<64x128xf32, #tpu.memory_space<vmem>>) offsets(%dma_start3A_50 : memref<64xi32, #tpu.memory_space<vmem>>) semaphore(%arg7 : memref<!tpu.dma_semaphore, #tpu.memory_space<semaphore_mem>>)
    %dma_wait3A_54 = arith.constant 256 : i32
    %dma_wait3A_55 = tpu.memref_slice %arg5[%dma_wait3A_54] : memref<448xi32, #tpu.memory_space<vmem>> -> memref<64xi32, #tpu.memory_space<vmem>>
    %dma_wait3A_56 = arith.constant 0 : i32
    %dma_wait3A_57 = arith.constant 0 : i32
    %dma_wait3A_58 = tpu.memref_slice %arg2[%dma_wait3A_56, %dma_wait3A_57] : memref<1000000x128xf32, #tpu.memory_space<hbm>> -> memref<1000000x128xf32, #tpu.memory_space<hbm>>
    tpu.wait_indirect_dma semaphore(%arg7 : memref<!tpu.dma_semaphore, #tpu.memory_space<semaphore_mem>>) src(%dma_wait3A_58 : memref<1000000x128xf32, #tpu.memory_space<hbm>>) dst(%arg6 : memref<64x128xf32, #tpu.memory_space<vmem>>)
    %add3A_59 = arith.constant 256 : i32
    %add3A_60 = arith.addi %mul3A_2, %add3A_59 : i32
    "tpu.region"() ({
      %run_scoped3A = tpu.sem_alloc : memref<!tpu.dma_semaphore, #tpu.memory_space<semaphore_mem>>
      %dma_start3A_85 = arith.constant 0 : i32
      %dma_start3A_86 = tpu.memref_slice %arg4[%add3A_60, %dma_start3A_85] : memref<14336x128xf32, #tpu.memory_space<hbm>> -> memref<64x128xf32, #tpu.memory_space<hbm>>
      %dma_start3A_87 = arith.constant 0 : i32
      %dma_start3A_88 = tpu.memref_slice %arg4[%add3A_60, %dma_start3A_87] : memref<14336x128xf32, #tpu.memory_space<hbm>> -> memref<64x128xf32, #tpu.memory_space<hbm>>
      tpu.enqueue_dma source(%arg6 : memref<64x128xf32, #tpu.memory_space<vmem>>) target(%dma_start3A_88 : memref<64x128xf32, #tpu.memory_space<hbm>>) target_semaphore(%run_scoped3A : memref<!tpu.dma_semaphore, #tpu.memory_space<semaphore_mem>>)
      %dma_wait3A_89 = arith.constant 0 : i32
      %dma_wait3A_90 = tpu.memref_slice %arg4[%add3A_60, %dma_wait3A_89] : memref<14336x128xf32, #tpu.memory_space<hbm>> -> memref<64x128xf32, #tpu.memory_space<hbm>>
      %dma_wait3A_91 = arith.constant 0 : i32
      %dma_wait3A_92 = tpu.memref_slice %arg4[%add3A_60, %dma_wait3A_91] : memref<14336x128xf32, #tpu.memory_space<hbm>> -> memref<64x128xf32, #tpu.memory_space<hbm>>
      tpu.wait_dma2 semaphore(%run_scoped3A : memref<!tpu.dma_semaphore, #tpu.memory_space<semaphore_mem>>) src(%arg6 : memref<64x128xf32, #tpu.memory_space<vmem>>) dst(%dma_wait3A_92 : memref<64x128xf32, #tpu.memory_space<hbm>>)
      tpu.yield
    }) : () -> ()
    %dma_start3A_61 = arith.constant 320 : i32
    %dma_start3A_62 = tpu.memref_slice %arg5[%dma_start3A_61] : memref<448xi32, #tpu.memory_space<vmem>> -> memref<64xi32, #tpu.memory_space<vmem>>
    %dma_start3A_63 = arith.constant 0 : i32
    %dma_start3A_64 = arith.constant 0 : i32
    %dma_start3A_65 = tpu.memref_slice %arg2[%dma_start3A_63, %dma_start3A_64] : memref<1000000x128xf32, #tpu.memory_space<hbm>> -> memref<1000000x128xf32, #tpu.memory_space<hbm>>
    tpu.enqueue_indirect_dma source(%dma_start3A_65 : memref<1000000x128xf32, #tpu.memory_space<hbm>>) target(%arg6 : memref<64x128xf32, #tpu.memory_space<vmem>>) offsets(%dma_start3A_62 : memref<64xi32, #tpu.memory_space<vmem>>) semaphore(%arg7 : memref<!tpu.dma_semaphore, #tpu.memory_space<semaphore_mem>>)
    %dma_wait3A_66 = arith.constant 320 : i32
    %dma_wait3A_67 = tpu.memref_slice %arg5[%dma_wait3A_66] : memref<448xi32, #tpu.memory_space<vmem>> -> memref<64xi32, #tpu.memory_space<vmem>>
    %dma_wait3A_68 = arith.constant 0 : i32
    %dma_wait3A_69 = arith.constant 0 : i32
    %dma_wait3A_70 = tpu.memref_slice %arg2[%dma_wait3A_68, %dma_wait3A_69] : memref<1000000x128xf32, #tpu.memory_space<hbm>> -> memref<1000000x128xf32, #tpu.memory_space<hbm>>
    tpu.wait_indirect_dma semaphore(%arg7 : memref<!tpu.dma_semaphore, #tpu.memory_space<semaphore_mem>>) src(%dma_wait3A_70 : memref<1000000x128xf32, #tpu.memory_space<hbm>>) dst(%arg6 : memref<64x128xf32, #tpu.memory_space<vmem>>)
    %add3A_71 = arith.constant 320 : i32
    %add3A_72 = arith.addi %mul3A_2, %add3A_71 : i32
    "tpu.region"() ({
      %run_scoped3A = tpu.sem_alloc : memref<!tpu.dma_semaphore, #tpu.memory_space<semaphore_mem>>
      %dma_start3A_85 = arith.constant 0 : i32
      %dma_start3A_86 = tpu.memref_slice %arg4[%add3A_72, %dma_start3A_85] : memref<14336x128xf32, #tpu.memory_space<hbm>> -> memref<64x128xf32, #tpu.memory_space<hbm>>
      %dma_start3A_87 = arith.constant 0 : i32
      %dma_start3A_88 = tpu.memref_slice %arg4[%add3A_72, %dma_start3A_87] : memref<14336x128xf32, #tpu.memory_space<hbm>> -> memref<64x128xf32, #tpu.memory_space<hbm>>
      tpu.enqueue_dma source(%arg6 : memref<64x128xf32, #tpu.memory_space<vmem>>) target(%dma_start3A_88 : memref<64x128xf32, #tpu.memory_space<hbm>>) target_semaphore(%run_scoped3A : memref<!tpu.dma_semaphore, #tpu.memory_space<semaphore_mem>>)
      %dma_wait3A_89 = arith.constant 0 : i32
      %dma_wait3A_90 = tpu.memref_slice %arg4[%add3A_72, %dma_wait3A_89] : memref<14336x128xf32, #tpu.memory_space<hbm>> -> memref<64x128xf32, #tpu.memory_space<hbm>>
      %dma_wait3A_91 = arith.constant 0 : i32
      %dma_wait3A_92 = tpu.memref_slice %arg4[%add3A_72, %dma_wait3A_91] : memref<14336x128xf32, #tpu.memory_space<hbm>> -> memref<64x128xf32, #tpu.memory_space<hbm>>
      tpu.wait_dma2 semaphore(%run_scoped3A : memref<!tpu.dma_semaphore, #tpu.memory_space<semaphore_mem>>) src(%arg6 : memref<64x128xf32, #tpu.memory_space<vmem>>) dst(%dma_wait3A_92 : memref<64x128xf32, #tpu.memory_space<hbm>>)
      tpu.yield
    }) : () -> ()
    %dma_start3A_73 = arith.constant 384 : i32
    %dma_start3A_74 = tpu.memref_slice %arg5[%dma_start3A_73] : memref<448xi32, #tpu.memory_space<vmem>> -> memref<64xi32, #tpu.memory_space<vmem>>
    %dma_start3A_75 = arith.constant 0 : i32
    %dma_start3A_76 = arith.constant 0 : i32
    %dma_start3A_77 = tpu.memref_slice %arg2[%dma_start3A_75, %dma_start3A_76] : memref<1000000x128xf32, #tpu.memory_space<hbm>> -> memref<1000000x128xf32, #tpu.memory_space<hbm>>
    tpu.enqueue_indirect_dma source(%dma_start3A_77 : memref<1000000x128xf32, #tpu.memory_space<hbm>>) target(%arg6 : memref<64x128xf32, #tpu.memory_space<vmem>>) offsets(%dma_start3A_74 : memref<64xi32, #tpu.memory_space<vmem>>) semaphore(%arg7 : memref<!tpu.dma_semaphore, #tpu.memory_space<semaphore_mem>>)
    %dma_wait3A_78 = arith.constant 384 : i32
    %dma_wait3A_79 = tpu.memref_slice %arg5[%dma_wait3A_78] : memref<448xi32, #tpu.memory_space<vmem>> -> memref<64xi32, #tpu.memory_space<vmem>>
    %dma_wait3A_80 = arith.constant 0 : i32
    %dma_wait3A_81 = arith.constant 0 : i32
    %dma_wait3A_82 = tpu.memref_slice %arg2[%dma_wait3A_80, %dma_wait3A_81] : memref<1000000x128xf32, #tpu.memory_space<hbm>> -> memref<1000000x128xf32, #tpu.memory_space<hbm>>
    tpu.wait_indirect_dma semaphore(%arg7 : memref<!tpu.dma_semaphore, #tpu.memory_space<semaphore_mem>>) src(%dma_wait3A_82 : memref<1000000x128xf32, #tpu.memory_space<hbm>>) dst(%arg6 : memref<64x128xf32, #tpu.memory_space<vmem>>)
    %add3A_83 = arith.constant 384 : i32
    %add3A_84 = arith.addi %mul3A_2, %add3A_83 : i32
    "tpu.region"() ({
      %run_scoped3A = tpu.sem_alloc : memref<!tpu.dma_semaphore, #tpu.memory_space<semaphore_mem>>
      %dma_start3A_85 = arith.constant 0 : i32
      %dma_start3A_86 = tpu.memref_slice %arg4[%add3A_84, %dma_start3A_85] : memref<14336x128xf32, #tpu.memory_space<hbm>> -> memref<64x128xf32, #tpu.memory_space<hbm>>
      %dma_start3A_87 = arith.constant 0 : i32
      %dma_start3A_88 = tpu.memref_slice %arg4[%add3A_84, %dma_start3A_87] : memref<14336x128xf32, #tpu.memory_space<hbm>> -> memref<64x128xf32, #tpu.memory_space<hbm>>
      tpu.enqueue_dma source(%arg6 : memref<64x128xf32, #tpu.memory_space<vmem>>) target(%dma_start3A_88 : memref<64x128xf32, #tpu.memory_space<hbm>>) target_semaphore(%run_scoped3A : memref<!tpu.dma_semaphore, #tpu.memory_space<semaphore_mem>>)
      %dma_wait3A_89 = arith.constant 0 : i32
      %dma_wait3A_90 = tpu.memref_slice %arg4[%add3A_84, %dma_wait3A_89] : memref<14336x128xf32, #tpu.memory_space<hbm>> -> memref<64x128xf32, #tpu.memory_space<hbm>>
      %dma_wait3A_91 = arith.constant 0 : i32
      %dma_wait3A_92 = tpu.memref_slice %arg4[%add3A_84, %dma_wait3A_91] : memref<14336x128xf32, #tpu.memory_space<hbm>> -> memref<64x128xf32, #tpu.memory_space<hbm>>
      tpu.wait_dma2 semaphore(%run_scoped3A : memref<!tpu.dma_semaphore, #tpu.memory_space<semaphore_mem>>) src(%arg6 : memref<64x128xf32, #tpu.memory_space<vmem>>) dst(%dma_wait3A_92 : memref<64x128xf32, #tpu.memory_space<hbm>>)
      tpu.yield
    }) : () -> ()
    return
  }
}

#map = affine_map<(d0, d1) -> (0, 0)>
#map1 = affine_map<(d0, d1) -> (0)>
module attributes {stable_mosaic.version = 14 : i64} {
  func.func @gather(%arg0: i32, %arg1: i32, %arg2: memref<1000000x128xf32, #tpu.memory_space<hbm>>, %arg3: memref<14336xi32, #tpu.memory_space<hbm>>, %arg4: memref<14336x128xf32, #tpu.memory_space<hbm>>, %arg5: memref<448xi32, #tpu.memory_space<vmem>>, %arg6: memref<64x128xf32, #tpu.memory_space<vmem>>, %arg7: memref<!tpu.dma_semaphore, #tpu.memory_space<semaphore_mem>>) attributes {dimension_semantics = [#tpu.dimension_semantics<core_parallel>, #tpu.dimension_semantics<subcore_parallel>], iteration_bounds = array<i64: 2, 16>, scalar_prefetch = 0 : i64, scratch_operands = 3 : i64, tpu.core_type = #tpu.core_type<sc_vector_subcore>, window_params = [{transform_indices = #map}, {transform_indices = #map1}, {transform_indices = #map}]} {
    %mul3A = arith.constant 2 : i32
    %mul3A_0 = arith.muli %arg1, %mul3A : i32
    %add3A = arith.addi %mul3A_0, %arg0 : i32
    %mul3A_1 = arith.constant 448 : i32
    %mul3A_2 = arith.muli %add3A, %mul3A_1 : i32
    "tpu.region"() ({
      %run_scoped3A = tpu.sem_alloc : memref<!tpu.dma_semaphore, #tpu.memory_space<semaphore_mem>>
      %dma_start3A_85 = tpu.memref_slice %arg3[%mul3A_2] : memref<14336xi32, #tpu.memory_space<hbm>> -> memref<448xi32, #tpu.memory_space<hbm>>
      %dma_start3A_86 = tpu.memref_slice %arg3[%mul3A_2] : memref<14336xi32, #tpu.memory_space<hbm>> -> memref<448xi32, #tpu.memory_space<hbm>>
      tpu.enqueue_dma source(%dma_start3A_86 : memref<448xi32, #tpu.memory_space<hbm>>) target(%arg5 : memref<448xi32, #tpu.memory_space<vmem>>) target_semaphore(%run_scoped3A : memref<!tpu.dma_semaphore, #tpu.memory_space<semaphore_mem>>)
      %dma_wait3A_87 = tpu.memref_slice %arg3[%mul3A_2] : memref<14336xi32, #tpu.memory_space<hbm>> -> memref<448xi32, #tpu.memory_space<hbm>>
      %dma_wait3A_88 = tpu.memref_slice %arg3[%mul3A_2] : memref<14336xi32, #tpu.memory_space<hbm>> -> memref<448xi32, #tpu.memory_space<hbm>>
      tpu.wait_dma2 semaphore(%run_scoped3A : memref<!tpu.dma_semaphore, #tpu.memory_space<semaphore_mem>>) src(%dma_wait3A_88 : memref<448xi32, #tpu.memory_space<hbm>>) dst(%arg5 : memref<448xi32, #tpu.memory_space<vmem>>)
      tpu.yield
    }) : () -> ()
    %dma_start3A = arith.constant 0 : i32
    %dma_start3A_3 = tpu.memref_slice %arg5[%dma_start3A] : memref<448xi32, #tpu.memory_space<vmem>> -> memref<64xi32, #tpu.memory_space<vmem>>
    %dma_start3A_4 = arith.constant 0 : i32
    %dma_start3A_5 = arith.constant 0 : i32
    %dma_start3A_6 = tpu.memref_slice %arg2[%dma_start3A_4, %dma_start3A_5] : memref<1000000x128xf32, #tpu.memory_space<hbm>> -> memref<1000000x128xf32, #tpu.memory_space<hbm>>
    tpu.enqueue_indirect_dma source(%dma_start3A_6 : memref<1000000x128xf32, #tpu.memory_space<hbm>>) target(%arg6 : memref<64x128xf32, #tpu.memory_space<vmem>>) offsets(%dma_start3A_3 : memref<64xi32, #tpu.memory_space<vmem>>) semaphore(%arg7 : memref<!tpu.dma_semaphore, #tpu.memory_space<semaphore_mem>>)
    %dma_wait3A = arith.constant 0 : i32
    %dma_wait3A_7 = tpu.memref_slice %arg5[%dma_wait3A] : memref<448xi32, #tpu.memory_space<vmem>> -> memref<64xi32, #tpu.memory_space<vmem>>
    %dma_wait3A_8 = arith.constant 0 : i32
    %dma_wait3A_9 = arith.constant 0 : i32
    %dma_wait3A_10 = tpu.memref_slice %arg2[%dma_wait3A_8, %dma_wait3A_9] : memref<1000000x128xf32, #tpu.memory_space<hbm>> -> memref<1000000x128xf32, #tpu.memory_space<hbm>>
    tpu.wait_indirect_dma semaphore(%arg7 : memref<!tpu.dma_semaphore, #tpu.memory_space<semaphore_mem>>) src(%dma_wait3A_10 : memref<1000000x128xf32, #tpu.memory_space<hbm>>) dst(%arg6 : memref<64x128xf32, #tpu.memory_space<vmem>>)
    %add3A_11 = arith.constant 0 : i32
    %add3A_12 = arith.addi %mul3A_2, %add3A_11 : i32
    "tpu.region"() ({
      %run_scoped3A = tpu.sem_alloc : memref<!tpu.dma_semaphore, #tpu.memory_space<semaphore_mem>>
      %dma_start3A_85 = arith.constant 0 : i32
      %dma_start3A_86 = tpu.memref_slice %arg4[%add3A_12, %dma_start3A_85] : memref<14336x128xf32, #tpu.memory_space<hbm>> -> memref<64x128xf32, #tpu.memory_space<hbm>>
      %dma_start3A_87 = arith.constant 0 : i32
      %dma_start3A_88 = tpu.memref_slice %arg4[%add3A_12, %dma_start3A_87] : memref<14336x128xf32, #tpu.memory_space<hbm>> -> memref<64x128xf32, #tpu.memory_space<hbm>>
      tpu.enqueue_dma source(%arg6 : memref<64x128xf32, #tpu.memory_space<vmem>>) target(%dma_start3A_88 : memref<64x128xf32, #tpu.memory_space<hbm>>) target_semaphore(%run_scoped3A : memref<!tpu.dma_semaphore, #tpu.memory_space<semaphore_mem>>)
      %dma_wait3A_89 = arith.constant 0 : i32
      %dma_wait3A_90 = tpu.memref_slice %arg4[%add3A_12, %dma_wait3A_89] : memref<14336x128xf32, #tpu.memory_space<hbm>> -> memref<64x128xf32, #tpu.memory_space<hbm>>
      %dma_wait3A_91 = arith.constant 0 : i32
      %dma_wait3A_92 = tpu.memref_slice %arg4[%add3A_12, %dma_wait3A_91] : memref<14336x128xf32, #tpu.memory_space<hbm>> -> memref<64x128xf32, #tpu.memory_space<hbm>>
      tpu.wait_dma2 semaphore(%run_scoped3A : memref<!tpu.dma_semaphore, #tpu.memory_space<semaphore_mem>>) src(%arg6 : memref<64x128xf32, #tpu.memory_space<vmem>>) dst(%dma_wait3A_92 : memref<64x128xf32, #tpu.memory_space<hbm>>)
      tpu.yield
    }) : () -> ()
    %dma_start3A_13 = arith.constant 64 : i32
    %dma_start3A_14 = tpu.memref_slice %arg5[%dma_start3A_13] : memref<448xi32, #tpu.memory_space<vmem>> -> memref<64xi32, #tpu.memory_space<vmem>>
    %dma_start3A_15 = arith.constant 0 : i32
    %dma_start3A_16 = arith.constant 0 : i32
    %dma_start3A_17 = tpu.memref_slice %arg2[%dma_start3A_15, %dma_start3A_16] : memref<1000000x128xf32, #tpu.memory_space<hbm>> -> memref<1000000x128xf32, #tpu.memory_space<hbm>>
    tpu.enqueue_indirect_dma source(%dma_start3A_17 : memref<1000000x128xf32, #tpu.memory_space<hbm>>) target(%arg6 : memref<64x128xf32, #tpu.memory_space<vmem>>) offsets(%dma_start3A_14 : memref<64xi32, #tpu.memory_space<vmem>>) semaphore(%arg7 : memref<!tpu.dma_semaphore, #tpu.memory_space<semaphore_mem>>)
    %dma_wait3A_18 = arith.constant 64 : i32
    %dma_wait3A_19 = tpu.memref_slice %arg5[%dma_wait3A_18] : memref<448xi32, #tpu.memory_space<vmem>> -> memref<64xi32, #tpu.memory_space<vmem>>
    %dma_wait3A_20 = arith.constant 0 : i32
    %dma_wait3A_21 = arith.constant 0 : i32
    %dma_wait3A_22 = tpu.memref_slice %arg2[%dma_wait3A_20, %dma_wait3A_21] : memref<1000000x128xf32, #tpu.memory_space<hbm>> -> memref<1000000x128xf32, #tpu.memory_space<hbm>>
    tpu.wait_indirect_dma semaphore(%arg7 : memref<!tpu.dma_semaphore, #tpu.memory_space<semaphore_mem>>) src(%dma_wait3A_22 : memref<1000000x128xf32, #tpu.memory_space<hbm>>) dst(%arg6 : memref<64x128xf32, #tpu.memory_space<vmem>>)
    %add3A_23 = arith.constant 64 : i32
    %add3A_24 = arith.addi %mul3A_2, %add3A_23 : i32
    "tpu.region"() ({
      %run_scoped3A = tpu.sem_alloc : memref<!tpu.dma_semaphore, #tpu.memory_space<semaphore_mem>>
      %dma_start3A_85 = arith.constant 0 : i32
      %dma_start3A_86 = tpu.memref_slice %arg4[%add3A_24, %dma_start3A_85] : memref<14336x128xf32, #tpu.memory_space<hbm>> -> memref<64x128xf32, #tpu.memory_space<hbm>>
      %dma_start3A_87 = arith.constant 0 : i32
      %dma_start3A_88 = tpu.memref_slice %arg4[%add3A_24, %dma_start3A_87] : memref<14336x128xf32, #tpu.memory_space<hbm>> -> memref<64x128xf32, #tpu.memory_space<hbm>>
      tpu.enqueue_dma source(%arg6 : memref<64x128xf32, #tpu.memory_space<vmem>>) target(%dma_start3A_88 : memref<64x128xf32, #tpu.memory_space<hbm>>) target_semaphore(%run_scoped3A : memref<!tpu.dma_semaphore, #tpu.memory_space<semaphore_mem>>)
      %dma_wait3A_89 = arith.constant 0 : i32
      %dma_wait3A_90 = tpu.memref_slice %arg4[%add3A_24, %dma_wait3A_89] : memref<14336x128xf32, #tpu.memory_space<hbm>> -> memref<64x128xf32, #tpu.memory_space<hbm>>
      %dma_wait3A_91 = arith.constant 0 : i32
      %dma_wait3A_92 = tpu.memref_slice %arg4[%add3A_24, %dma_wait3A_91] : memref<14336x128xf32, #tpu.memory_space<hbm>> -> memref<64x128xf32, #tpu.memory_space<hbm>>
      tpu.wait_dma2 semaphore(%run_scoped3A : memref<!tpu.dma_semaphore, #tpu.memory_space<semaphore_mem>>) src(%arg6 : memref<64x128xf32, #tpu.memory_space<vmem>>) dst(%dma_wait3A_92 : memref<64x128xf32, #tpu.memory_space<hbm>>)
      tpu.yield
    }) : () -> ()
    %dma_start3A_25 = arith.constant 128 : i32
    %dma_start3A_26 = tpu.memref_slice %arg5[%dma_start3A_25] : memref<448xi32, #tpu.memory_space<vmem>> -> memref<64xi32, #tpu.memory_space<vmem>>
    %dma_start3A_27 = arith.constant 0 : i32
    %dma_start3A_28 = arith.constant 0 : i32
    %dma_start3A_29 = tpu.memref_slice %arg2[%dma_start3A_27, %dma_start3A_28] : memref<1000000x128xf32, #tpu.memory_space<hbm>> -> memref<1000000x128xf32, #tpu.memory_space<hbm>>
    tpu.enqueue_indirect_dma source(%dma_start3A_29 : memref<1000000x128xf32, #tpu.memory_space<hbm>>) target(%arg6 : memref<64x128xf32, #tpu.memory_space<vmem>>) offsets(%dma_start3A_26 : memref<64xi32, #tpu.memory_space<vmem>>) semaphore(%arg7 : memref<!tpu.dma_semaphore, #tpu.memory_space<semaphore_mem>>)
    %dma_wait3A_30 = arith.constant 128 : i32
    %dma_wait3A_31 = tpu.memref_slice %arg5[%dma_wait3A_30] : memref<448xi32, #tpu.memory_space<vmem>> -> memref<64xi32, #tpu.memory_space<vmem>>
    %dma_wait3A_32 = arith.constant 0 : i32
    %dma_wait3A_33 = arith.constant 0 : i32
    %dma_wait3A_34 = tpu.memref_slice %arg2[%dma_wait3A_32, %dma_wait3A_33] : memref<1000000x128xf32, #tpu.memory_space<hbm>> -> memref<1000000x128xf32, #tpu.memory_space<hbm>>
    tpu.wait_indirect_dma semaphore(%arg7 : memref<!tpu.dma_semaphore, #tpu.memory_space<semaphore_mem>>) src(%dma_wait3A_34 : memref<1000000x128xf32, #tpu.memory_space<hbm>>) dst(%arg6 : memref<64x128xf32, #tpu.memory_space<vmem>>)
    %add3A_35 = arith.constant 128 : i32
    %add3A_36 = arith.addi %mul3A_2, %add3A_35 : i32
    "tpu.region"() ({
      %run_scoped3A = tpu.sem_alloc : memref<!tpu.dma_semaphore, #tpu.memory_space<semaphore_mem>>
      %dma_start3A_85 = arith.constant 0 : i32
      %dma_start3A_86 = tpu.memref_slice %arg4[%add3A_36, %dma_start3A_85] : memref<14336x128xf32, #tpu.memory_space<hbm>> -> memref<64x128xf32, #tpu.memory_space<hbm>>
      %dma_start3A_87 = arith.constant 0 : i32
      %dma_start3A_88 = tpu.memref_slice %arg4[%add3A_36, %dma_start3A_87] : memref<14336x128xf32, #tpu.memory_space<hbm>> -> memref<64x128xf32, #tpu.memory_space<hbm>>
      tpu.enqueue_dma source(%arg6 : memref<64x128xf32, #tpu.memory_space<vmem>>) target(%dma_start3A_88 : memref<64x128xf32, #tpu.memory_space<hbm>>) target_semaphore(%run_scoped3A : memref<!tpu.dma_semaphore, #tpu.memory_space<semaphore_mem>>)
      %dma_wait3A_89 = arith.constant 0 : i32
      %dma_wait3A_90 = tpu.memref_slice %arg4[%add3A_36, %dma_wait3A_89] : memref<14336x128xf32, #tpu.memory_space<hbm>> -> memref<64x128xf32, #tpu.memory_space<hbm>>
      %dma_wait3A_91 = arith.constant 0 : i32
      %dma_wait3A_92 = tpu.memref_slice %arg4[%add3A_36, %dma_wait3A_91] : memref<14336x128xf32, #tpu.memory_space<hbm>> -> memref<64x128xf32, #tpu.memory_space<hbm>>
      tpu.wait_dma2 semaphore(%run_scoped3A : memref<!tpu.dma_semaphore, #tpu.memory_space<semaphore_mem>>) src(%arg6 : memref<64x128xf32, #tpu.memory_space<vmem>>) dst(%dma_wait3A_92 : memref<64x128xf32, #tpu.memory_space<hbm>>)
      tpu.yield
    }) : () -> ()
    %dma_start3A_37 = arith.constant 192 : i32
    %dma_start3A_38 = tpu.memref_slice %arg5[%dma_start3A_37] : memref<448xi32, #tpu.memory_space<vmem>> -> memref<64xi32, #tpu.memory_space<vmem>>
    %dma_start3A_39 = arith.constant 0 : i32
    %dma_start3A_40 = arith.constant 0 : i32
    %dma_start3A_41 = tpu.memref_slice %arg2[%dma_start3A_39, %dma_start3A_40] : memref<1000000x128xf32, #tpu.memory_space<hbm>> -> memref<1000000x128xf32, #tpu.memory_space<hbm>>
    tpu.enqueue_indirect_dma source(%dma_start3A_41 : memref<1000000x128xf32, #tpu.memory_space<hbm>>) target(%arg6 : memref<64x128xf32, #tpu.memory_space<vmem>>) offsets(%dma_start3A_38 : memref<64xi32, #tpu.memory_space<vmem>>) semaphore(%arg7 : memref<!tpu.dma_semaphore, #tpu.memory_space<semaphore_mem>>)
    %dma_wait3A_42 = arith.constant 192 : i32
    %dma_wait3A_43 = tpu.memref_slice %arg5[%dma_wait3A_42] : memref<448xi32, #tpu.memory_space<vmem>> -> memref<64xi32, #tpu.memory_space<vmem>>
    %dma_wait3A_44 = arith.constant 0 : i32
    %dma_wait3A_45 = arith.constant 0 : i32
    %dma_wait3A_46 = tpu.memref_slice %arg2[%dma_wait3A_44, %dma_wait3A_45] : memref<1000000x128xf32, #tpu.memory_space<hbm>> -> memref<1000000x128xf32, #tpu.memory_space<hbm>>
    tpu.wait_indirect_dma semaphore(%arg7 : memref<!tpu.dma_semaphore, #tpu.memory_space<semaphore_mem>>) src(%dma_wait3A_46 : memref<1000000x128xf32, #tpu.memory_space<hbm>>) dst(%arg6 : memref<64x128xf32, #tpu.memory_space<vmem>>)
    %add3A_47 = arith.constant 192 : i32
    %add3A_48 = arith.addi %mul3A_2, %add3A_47 : i32
    "tpu.region"() ({
      %run_scoped3A = tpu.sem_alloc : memref<!tpu.dma_semaphore, #tpu.memory_space<semaphore_mem>>
      %dma_start3A_85 = arith.constant 0 : i32
      %dma_start3A_86 = tpu.memref_slice %arg4[%add3A_48, %dma_start3A_85] : memref<14336x128xf32, #tpu.memory_space<hbm>> -> memref<64x128xf32, #tpu.memory_space<hbm>>
      %dma_start3A_87 = arith.constant 0 : i32
      %dma_start3A_88 = tpu.memref_slice %arg4[%add3A_48, %dma_start3A_87] : memref<14336x128xf32, #tpu.memory_space<hbm>> -> memref<64x128xf32, #tpu.memory_space<hbm>>
      tpu.enqueue_dma source(%arg6 : memref<64x128xf32, #tpu.memory_space<vmem>>) target(%dma_start3A_88 : memref<64x128xf32, #tpu.memory_space<hbm>>) target_semaphore(%run_scoped3A : memref<!tpu.dma_semaphore, #tpu.memory_space<semaphore_mem>>)
      %dma_wait3A_89 = arith.constant 0 : i32
      %dma_wait3A_90 = tpu.memref_slice %arg4[%add3A_48, %dma_wait3A_89] : memref<14336x128xf32, #tpu.memory_space<hbm>> -> memref<64x128xf32, #tpu.memory_space<hbm>>
      %dma_wait3A_91 = arith.constant 0 : i32
      %dma_wait3A_92 = tpu.memref_slice %arg4[%add3A_48, %dma_wait3A_91] : memref<14336x128xf32, #tpu.memory_space<hbm>> -> memref<64x128xf32, #tpu.memory_space<hbm>>
      tpu.wait_dma2 semaphore(%run_scoped3A : memref<!tpu.dma_semaphore, #tpu.memory_space<semaphore_mem>>) src(%arg6 : memref<64x128xf32, #tpu.memory_space<vmem>>) dst(%dma_wait3A_92 : memref<64x128xf32, #tpu.memory_space<hbm>>)
      tpu.yield
    }) : () -> ()
    %dma_start3A_49 = arith.constant 256 : i32
    %dma_start3A_50 = tpu.memref_slice %arg5[%dma_start3A_49] : memref<448xi32, #tpu.memory_space<vmem>> -> memref<64xi32, #tpu.memory_space<vmem>>
    %dma_start3A_51 = arith.constant 0 : i32
    %dma_start3A_52 = arith.constant 0 : i32
    %dma_start3A_53 = tpu.memref_slice %arg2[%dma_start3A_51, %dma_start3A_52] : memref<1000000x128xf32, #tpu.memory_space<hbm>> -> memref<1000000x128xf32, #tpu.memory_space<hbm>>
    tpu.enqueue_indirect_dma source(%dma_start3A_53 : memref<1000000x128xf32, #tpu.memory_space<hbm>>) target(%arg6 : memref<64x128xf32, #tpu.memory_space<vmem>>) offsets(%dma_start3A_50 : memref<64xi32, #tpu.memory_space<vmem>>) semaphore(%arg7 : memref<!tpu.dma_semaphore, #tpu.memory_space<semaphore_mem>>)
    %dma_wait3A_54 = arith.constant 256 : i32
    %dma_wait3A_55 = tpu.memref_slice %arg5[%dma_wait3A_54] : memref<448xi32, #tpu.memory_space<vmem>> -> memref<64xi32, #tpu.memory_space<vmem>>
    %dma_wait3A_56 = arith.constant 0 : i32
    %dma_wait3A_57 = arith.constant 0 : i32
    %dma_wait3A_58 = tpu.memref_slice %arg2[%dma_wait3A_56, %dma_wait3A_57] : memref<1000000x128xf32, #tpu.memory_space<hbm>> -> memref<1000000x128xf32, #tpu.memory_space<hbm>>
    tpu.wait_indirect_dma semaphore(%arg7 : memref<!tpu.dma_semaphore, #tpu.memory_space<semaphore_mem>>) src(%dma_wait3A_58 : memref<1000000x128xf32, #tpu.memory_space<hbm>>) dst(%arg6 : memref<64x128xf32, #tpu.memory_space<vmem>>)
    %add3A_59 = arith.constant 256 : i32
    %add3A_60 = arith.addi %mul3A_2, %add3A_59 : i32
    "tpu.region"() ({
      %run_scoped3A = tpu.sem_alloc : memref<!tpu.dma_semaphore, #tpu.memory_space<semaphore_mem>>
      %dma_start3A_85 = arith.constant 0 : i32
      %dma_start3A_86 = tpu.memref_slice %arg4[%add3A_60, %dma_start3A_85] : memref<14336x128xf32, #tpu.memory_space<hbm>> -> memref<64x128xf32, #tpu.memory_space<hbm>>
      %dma_start3A_87 = arith.constant 0 : i32
      %dma_start3A_88 = tpu.memref_slice %arg4[%add3A_60, %dma_start3A_87] : memref<14336x128xf32, #tpu.memory_space<hbm>> -> memref<64x128xf32, #tpu.memory_space<hbm>>
      tpu.enqueue_dma source(%arg6 : memref<64x128xf32, #tpu.memory_space<vmem>>) target(%dma_start3A_88 : memref<64x128xf32, #tpu.memory_space<hbm>>) target_semaphore(%run_scoped3A : memref<!tpu.dma_semaphore, #tpu.memory_space<semaphore_mem>>)
      %dma_wait3A_89 = arith.constant 0 : i32
      %dma_wait3A_90 = tpu.memref_slice %arg4[%add3A_60, %dma_wait3A_89] : memref<14336x128xf32, #tpu.memory_space<hbm>> -> memref<64x128xf32, #tpu.memory_space<hbm>>
      %dma_wait3A_91 = arith.constant 0 : i32
      %dma_wait3A_92 = tpu.memref_slice %arg4[%add3A_60, %dma_wait3A_91] : memref<14336x128xf32, #tpu.memory_space<hbm>> -> memref<64x128xf32, #tpu.memory_space<hbm>>
      tpu.wait_dma2 semaphore(%run_scoped3A : memref<!tpu.dma_semaphore, #tpu.memory_space<semaphore_mem>>) src(%arg6 : memref<64x128xf32, #tpu.memory_space<vmem>>) dst(%dma_wait3A_92 : memref<64x128xf32, #tpu.memory_space<hbm>>)
      tpu.yield
    }) : () -> ()
    %dma_start3A_61 = arith.constant 320 : i32
    %dma_start3A_62 = tpu.memref_slice %arg5[%dma_start3A_61] : memref<448xi32, #tpu.memory_space<vmem>> -> memref<64xi32, #tpu.memory_space<vmem>>
    %dma_start3A_63 = arith.constant 0 : i32
    %dma_start3A_64 = arith.constant 0 : i32
    %dma_start3A_65 = tpu.memref_slice %arg2[%dma_start3A_63, %dma_start3A_64] : memref<1000000x128xf32, #tpu.memory_space<hbm>> -> memref<1000000x128xf32, #tpu.memory_space<hbm>>
    tpu.enqueue_indirect_dma source(%dma_start3A_65 : memref<1000000x128xf32, #tpu.memory_space<hbm>>) target(%arg6 : memref<64x128xf32, #tpu.memory_space<vmem>>) offsets(%dma_start3A_62 : memref<64xi32, #tpu.memory_space<vmem>>) semaphore(%arg7 : memref<!tpu.dma_semaphore, #tpu.memory_space<semaphore_mem>>)
    %dma_wait3A_66 = arith.constant 320 : i32
    %dma_wait3A_67 = tpu.memref_slice %arg5[%dma_wait3A_66] : memref<448xi32, #tpu.memory_space<vmem>> -> memref<64xi32, #tpu.memory_space<vmem>>
    %dma_wait3A_68 = arith.constant 0 : i32
    %dma_wait3A_69 = arith.constant 0 : i32
    %dma_wait3A_70 = tpu.memref_slice %arg2[%dma_wait3A_68, %dma_wait3A_69] : memref<1000000x128xf32, #tpu.memory_space<hbm>> -> memref<1000000x128xf32, #tpu.memory_space<hbm>>
    tpu.wait_indirect_dma semaphore(%arg7 : memref<!tpu.dma_semaphore, #tpu.memory_space<semaphore_mem>>) src(%dma_wait3A_70 : memref<1000000x128xf32, #tpu.memory_space<hbm>>) dst(%arg6 : memref<64x128xf32, #tpu.memory_space<vmem>>)
    %add3A_71 = arith.constant 320 : i32
    %add3A_72 = arith.addi %mul3A_2, %add3A_71 : i32
    "tpu.region"() ({
      %run_scoped3A = tpu.sem_alloc : memref<!tpu.dma_semaphore, #tpu.memory_space<semaphore_mem>>
      %dma_start3A_85 = arith.constant 0 : i32
      %dma_start3A_86 = tpu.memref_slice %arg4[%add3A_72, %dma_start3A_85] : memref<14336x128xf32, #tpu.memory_space<hbm>> -> memref<64x128xf32, #tpu.memory_space<hbm>>
      %dma_start3A_87 = arith.constant 0 : i32
      %dma_start3A_88 = tpu.memref_slice %arg4[%add3A_72, %dma_start3A_87] : memref<14336x128xf32, #tpu.memory_space<hbm>> -> memref<64x128xf32, #tpu.memory_space<hbm>>
      tpu.enqueue_dma source(%arg6 : memref<64x128xf32, #tpu.memory_space<vmem>>) target(%dma_start3A_88 : memref<64x128xf32, #tpu.memory_space<hbm>>) target_semaphore(%run_scoped3A : memref<!tpu.dma_semaphore, #tpu.memory_space<semaphore_mem>>)
      %dma_wait3A_89 = arith.constant 0 : i32
      %dma_wait3A_90 = tpu.memref_slice %arg4[%add3A_72, %dma_wait3A_89] : memref<14336x128xf32, #tpu.memory_space<hbm>> -> memref<64x128xf32, #tpu.memory_space<hbm>>
      %dma_wait3A_91 = arith.constant 0 : i32
      %dma_wait3A_92 = tpu.memref_slice %arg4[%add3A_72, %dma_wait3A_91] : memref<14336x128xf32, #tpu.memory_space<hbm>> -> memref<64x128xf32, #tpu.memory_space<hbm>>
      tpu.wait_dma2 semaphore(%run_scoped3A : memref<!tpu.dma_semaphore, #tpu.memory_space<semaphore_mem>>) src(%arg6 : memref<64x128xf32, #tpu.memory_space<vmem>>) dst(%dma_wait3A_92 : memref<64x128xf32, #tpu.memory_space<hbm>>)
      tpu.yield
    }) : () -> ()
    %dma_start3A_73 = arith.constant 384 : i32
    %dma_start3A_74 = tpu.memref_slice %arg5[%dma_start3A_73] : memref<448xi32, #tpu.memory_space<vmem>> -> memref<64xi32, #tpu.memory_space<vmem>>
    %dma_start3A_75 = arith.constant 0 : i32
    %dma_start3A_76 = arith.constant 0 : i32
    %dma_start3A_77 = tpu.memref_slice %arg2[%dma_start3A_75, %dma_start3A_76] : memref<1000000x128xf32, #tpu.memory_space<hbm>> -> memref<1000000x128xf32, #tpu.memory_space<hbm>>
    tpu.enqueue_indirect_dma source(%dma_start3A_77 : memref<1000000x128xf32, #tpu.memory_space<hbm>>) target(%arg6 : memref<64x128xf32, #tpu.memory_space<vmem>>) offsets(%dma_start3A_74 : memref<64xi32, #tpu.memory_space<vmem>>) semaphore(%arg7 : memref<!tpu.dma_semaphore, #tpu.memory_space<semaphore_mem>>)
    %dma_wait3A_78 = arith.constant 384 : i32
    %dma_wait3A_79 = tpu.memref_slice %arg5[%dma_wait3A_78] : memref<448xi32, #tpu.memory_space<vmem>> -> memref<64xi32, #tpu.memory_space<vmem>>
    %dma_wait3A_80 = arith.constant 0 : i32
    %dma_wait3A_81 = arith.constant 0 : i32
    %dma_wait3A_82 = tpu.memref_slice %arg2[%dma_wait3A_80, %dma_wait3A_81] : memref<1000000x128xf32, #tpu.memory_space<hbm>> -> memref<1000000x128xf32, #tpu.memory_space<hbm>>
    tpu.wait_indirect_dma semaphore(%arg7 : memref<!tpu.dma_semaphore, #tpu.memory_space<semaphore_mem>>) src(%dma_wait3A_82 : memref<1000000x128xf32, #tpu.memory_space<hbm>>) dst(%arg6 : memref<64x128xf32, #tpu.memory_space<vmem>>)
    %add3A_83 = arith.constant 384 : i32
    %add3A_84 = arith.addi %mul3A_2, %add3A_83 : i32
    "tpu.region"() ({
      %run_scoped3A = tpu.sem_alloc : memref<!tpu.dma_semaphore, #tpu.memory_space<semaphore_mem>>
      %dma_start3A_85 = arith.constant 0 : i32
      %dma_start3A_86 = tpu.memref_slice %arg4[%add3A_84, %dma_start3A_85] : memref<14336x128xf32, #tpu.memory_space<hbm>> -> memref<64x128xf32, #tpu.memory_space<hbm>>
      %dma_start3A_87 = arith.constant 0 : i32
      %dma_start3A_88 = tpu.memref_slice %arg4[%add3A_84, %dma_start3A_87] : memref<14336x128xf32, #tpu.memory_space<hbm>> -> memref<64x128xf32, #tpu.memory_space<hbm>>
      tpu.enqueue_dma source(%arg6 : memref<64x128xf32, #tpu.memory_space<vmem>>) target(%dma_start3A_88 : memref<64x128xf32, #tpu.memory_space<hbm>>) target_semaphore(%run_scoped3A : memref<!tpu.dma_semaphore, #tpu.memory_space<semaphore_mem>>)
      %dma_wait3A_89 = arith.constant 0 : i32
      %dma_wait3A_90 = tpu.memref_slice %arg4[%add3A_84, %dma_wait3A_89] : memref<14336x128xf32, #tpu.memory_space<hbm>> -> memref<64x128xf32, #tpu.memory_space<hbm>>
      %dma_wait3A_91 = arith.constant 0 : i32
      %dma_wait3A_92 = tpu.memref_slice %arg4[%add3A_84, %dma_wait3A_91] : memref<14336x128xf32, #tpu.memory_space<hbm>> -> memref<64x128xf32, #tpu.memory_space<hbm>>
      tpu.wait_dma2 semaphore(%run_scoped3A : memref<!tpu.dma_semaphore, #tpu.memory_space<semaphore_mem>>) src(%arg6 : memref<64x128xf32, #tpu.memory_space<vmem>>) dst(%dma_wait3A_92 : memref<64x128xf32, #tpu.memory_space<hbm>>)
      tpu.yield
    }) : () -> ()
    return
  }
}

#map = affine_map<(d0, d1) -> (0, 0)>
#map1 = affine_map<(d0, d1) -> (0)>
module attributes {stable_mosaic.version = 14 : i64} {
  func.func @gather(%arg0: i32, %arg1: i32, %arg2: memref<1000000x128xf32, #tpu.memory_space<hbm>>, %arg3: memref<14336xi32, #tpu.memory_space<hbm>>, %arg4: memref<14336x128xf32, #tpu.memory_space<hbm>>, %arg5: memref<448xi32, #tpu.memory_space<vmem>>, %arg6: memref<64x128xf32, #tpu.memory_space<vmem>>, %arg7: memref<!tpu.dma_semaphore, #tpu.memory_space<semaphore_mem>>) attributes {dimension_semantics = [#tpu.dimension_semantics<core_parallel>, #tpu.dimension_semantics<subcore_parallel>], iteration_bounds = array<i64: 2, 16>, scalar_prefetch = 0 : i64, scratch_operands = 3 : i64, tpu.core_type = #tpu.core_type<sc_vector_subcore>, window_params = [{transform_indices = #map}, {transform_indices = #map1}, {transform_indices = #map}]} {
    %mul3A = arith.constant 2 : i32
    %mul3A_0 = arith.muli %arg1, %mul3A : i32
    %add3A = arith.addi %mul3A_0, %arg0 : i32
    %mul3A_1 = arith.constant 448 : i32
    %mul3A_2 = arith.muli %add3A, %mul3A_1 : i32
    "tpu.region"() ({
      %run_scoped3A = tpu.sem_alloc : memref<!tpu.dma_semaphore, #tpu.memory_space<semaphore_mem>>
      %dma_start3A_85 = tpu.memref_slice %arg3[%mul3A_2] : memref<14336xi32, #tpu.memory_space<hbm>> -> memref<448xi32, #tpu.memory_space<hbm>>
      %dma_start3A_86 = tpu.memref_slice %arg3[%mul3A_2] : memref<14336xi32, #tpu.memory_space<hbm>> -> memref<448xi32, #tpu.memory_space<hbm>>
      tpu.enqueue_dma source(%dma_start3A_86 : memref<448xi32, #tpu.memory_space<hbm>>) target(%arg5 : memref<448xi32, #tpu.memory_space<vmem>>) target_semaphore(%run_scoped3A : memref<!tpu.dma_semaphore, #tpu.memory_space<semaphore_mem>>)
      %dma_wait3A_87 = tpu.memref_slice %arg3[%mul3A_2] : memref<14336xi32, #tpu.memory_space<hbm>> -> memref<448xi32, #tpu.memory_space<hbm>>
      %dma_wait3A_88 = tpu.memref_slice %arg3[%mul3A_2] : memref<14336xi32, #tpu.memory_space<hbm>> -> memref<448xi32, #tpu.memory_space<hbm>>
      tpu.wait_dma2 semaphore(%run_scoped3A : memref<!tpu.dma_semaphore, #tpu.memory_space<semaphore_mem>>) src(%dma_wait3A_88 : memref<448xi32, #tpu.memory_space<hbm>>) dst(%arg5 : memref<448xi32, #tpu.memory_space<vmem>>)
      tpu.yield
    }) : () -> ()
    %dma_start3A = arith.constant 0 : i32
    %dma_start3A_3 = tpu.memref_slice %arg5[%dma_start3A] : memref<448xi32, #tpu.memory_space<vmem>> -> memref<64xi32, #tpu.memory_space<vmem>>
    %dma_start3A_4 = arith.constant 0 : i32
    %dma_start3A_5 = arith.constant 0 : i32
    %dma_start3A_6 = tpu.memref_slice %arg2[%dma_start3A_4, %dma_start3A_5] : memref<1000000x128xf32, #tpu.memory_space<hbm>> -> memref<1000000x128xf32, #tpu.memory_space<hbm>>
    tpu.enqueue_indirect_dma source(%dma_start3A_6 : memref<1000000x128xf32, #tpu.memory_space<hbm>>) target(%arg6 : memref<64x128xf32, #tpu.memory_space<vmem>>) offsets(%dma_start3A_3 : memref<64xi32, #tpu.memory_space<vmem>>) semaphore(%arg7 : memref<!tpu.dma_semaphore, #tpu.memory_space<semaphore_mem>>)
    %dma_wait3A = arith.constant 0 : i32
    %dma_wait3A_7 = tpu.memref_slice %arg5[%dma_wait3A] : memref<448xi32, #tpu.memory_space<vmem>> -> memref<64xi32, #tpu.memory_space<vmem>>
    %dma_wait3A_8 = arith.constant 0 : i32
    %dma_wait3A_9 = arith.constant 0 : i32
    %dma_wait3A_10 = tpu.memref_slice %arg2[%dma_wait3A_8, %dma_wait3A_9] : memref<1000000x128xf32, #tpu.memory_space<hbm>> -> memref<1000000x128xf32, #tpu.memory_space<hbm>>
    tpu.wait_indirect_dma semaphore(%arg7 : memref<!tpu.dma_semaphore, #tpu.memory_space<semaphore_mem>>) src(%dma_wait3A_10 : memref<1000000x128xf32, #tpu.memory_space<hbm>>) dst(%arg6 : memref<64x128xf32, #tpu.memory_space<vmem>>)
    %add3A_11 = arith.constant 0 : i32
    %add3A_12 = arith.addi %mul3A_2, %add3A_11 : i32
    "tpu.region"() ({
      %run_scoped3A = tpu.sem_alloc : memref<!tpu.dma_semaphore, #tpu.memory_space<semaphore_mem>>
      %dma_start3A_85 = arith.constant 0 : i32
      %dma_start3A_86 = tpu.memref_slice %arg4[%add3A_12, %dma_start3A_85] : memref<14336x128xf32, #tpu.memory_space<hbm>> -> memref<64x128xf32, #tpu.memory_space<hbm>>
      %dma_start3A_87 = arith.constant 0 : i32
      %dma_start3A_88 = tpu.memref_slice %arg4[%add3A_12, %dma_start3A_87] : memref<14336x128xf32, #tpu.memory_space<hbm>> -> memref<64x128xf32, #tpu.memory_space<hbm>>
      tpu.enqueue_dma source(%arg6 : memref<64x128xf32, #tpu.memory_space<vmem>>) target(%dma_start3A_88 : memref<64x128xf32, #tpu.memory_space<hbm>>) target_semaphore(%run_scoped3A : memref<!tpu.dma_semaphore, #tpu.memory_space<semaphore_mem>>)
      %dma_wait3A_89 = arith.constant 0 : i32
      %dma_wait3A_90 = tpu.memref_slice %arg4[%add3A_12, %dma_wait3A_89] : memref<14336x128xf32, #tpu.memory_space<hbm>> -> memref<64x128xf32, #tpu.memory_space<hbm>>
      %dma_wait3A_91 = arith.constant 0 : i32
      %dma_wait3A_92 = tpu.memref_slice %arg4[%add3A_12, %dma_wait3A_91] : memref<14336x128xf32, #tpu.memory_space<hbm>> -> memref<64x128xf32, #tpu.memory_space<hbm>>
      tpu.wait_dma2 semaphore(%run_scoped3A : memref<!tpu.dma_semaphore, #tpu.memory_space<semaphore_mem>>) src(%arg6 : memref<64x128xf32, #tpu.memory_space<vmem>>) dst(%dma_wait3A_92 : memref<64x128xf32, #tpu.memory_space<hbm>>)
      tpu.yield
    }) : () -> ()
    %dma_start3A_13 = arith.constant 64 : i32
    %dma_start3A_14 = tpu.memref_slice %arg5[%dma_start3A_13] : memref<448xi32, #tpu.memory_space<vmem>> -> memref<64xi32, #tpu.memory_space<vmem>>
    %dma_start3A_15 = arith.constant 0 : i32
    %dma_start3A_16 = arith.constant 0 : i32
    %dma_start3A_17 = tpu.memref_slice %arg2[%dma_start3A_15, %dma_start3A_16] : memref<1000000x128xf32, #tpu.memory_space<hbm>> -> memref<1000000x128xf32, #tpu.memory_space<hbm>>
    tpu.enqueue_indirect_dma source(%dma_start3A_17 : memref<1000000x128xf32, #tpu.memory_space<hbm>>) target(%arg6 : memref<64x128xf32, #tpu.memory_space<vmem>>) offsets(%dma_start3A_14 : memref<64xi32, #tpu.memory_space<vmem>>) semaphore(%arg7 : memref<!tpu.dma_semaphore, #tpu.memory_space<semaphore_mem>>)
    %dma_wait3A_18 = arith.constant 64 : i32
    %dma_wait3A_19 = tpu.memref_slice %arg5[%dma_wait3A_18] : memref<448xi32, #tpu.memory_space<vmem>> -> memref<64xi32, #tpu.memory_space<vmem>>
    %dma_wait3A_20 = arith.constant 0 : i32
    %dma_wait3A_21 = arith.constant 0 : i32
    %dma_wait3A_22 = tpu.memref_slice %arg2[%dma_wait3A_20, %dma_wait3A_21] : memref<1000000x128xf32, #tpu.memory_space<hbm>> -> memref<1000000x128xf32, #tpu.memory_space<hbm>>
    tpu.wait_indirect_dma semaphore(%arg7 : memref<!tpu.dma_semaphore, #tpu.memory_space<semaphore_mem>>) src(%dma_wait3A_22 : memref<1000000x128xf32, #tpu.memory_space<hbm>>) dst(%arg6 : memref<64x128xf32, #tpu.memory_space<vmem>>)
    %add3A_23 = arith.constant 64 : i32
    %add3A_24 = arith.addi %mul3A_2, %add3A_23 : i32
    "tpu.region"() ({
      %run_scoped3A = tpu.sem_alloc : memref<!tpu.dma_semaphore, #tpu.memory_space<semaphore_mem>>
      %dma_start3A_85 = arith.constant 0 : i32
      %dma_start3A_86 = tpu.memref_slice %arg4[%add3A_24, %dma_start3A_85] : memref<14336x128xf32, #tpu.memory_space<hbm>> -> memref<64x128xf32, #tpu.memory_space<hbm>>
      %dma_start3A_87 = arith.constant 0 : i32
      %dma_start3A_88 = tpu.memref_slice %arg4[%add3A_24, %dma_start3A_87] : memref<14336x128xf32, #tpu.memory_space<hbm>> -> memref<64x128xf32, #tpu.memory_space<hbm>>
      tpu.enqueue_dma source(%arg6 : memref<64x128xf32, #tpu.memory_space<vmem>>) target(%dma_start3A_88 : memref<64x128xf32, #tpu.memory_space<hbm>>) target_semaphore(%run_scoped3A : memref<!tpu.dma_semaphore, #tpu.memory_space<semaphore_mem>>)
      %dma_wait3A_89 = arith.constant 0 : i32
      %dma_wait3A_90 = tpu.memref_slice %arg4[%add3A_24, %dma_wait3A_89] : memref<14336x128xf32, #tpu.memory_space<hbm>> -> memref<64x128xf32, #tpu.memory_space<hbm>>
      %dma_wait3A_91 = arith.constant 0 : i32
      %dma_wait3A_92 = tpu.memref_slice %arg4[%add3A_24, %dma_wait3A_91] : memref<14336x128xf32, #tpu.memory_space<hbm>> -> memref<64x128xf32, #tpu.memory_space<hbm>>
      tpu.wait_dma2 semaphore(%run_scoped3A : memref<!tpu.dma_semaphore, #tpu.memory_space<semaphore_mem>>) src(%arg6 : memref<64x128xf32, #tpu.memory_space<vmem>>) dst(%dma_wait3A_92 : memref<64x128xf32, #tpu.memory_space<hbm>>)
      tpu.yield
    }) : () -> ()
    %dma_start3A_25 = arith.constant 128 : i32
    %dma_start3A_26 = tpu.memref_slice %arg5[%dma_start3A_25] : memref<448xi32, #tpu.memory_space<vmem>> -> memref<64xi32, #tpu.memory_space<vmem>>
    %dma_start3A_27 = arith.constant 0 : i32
    %dma_start3A_28 = arith.constant 0 : i32
    %dma_start3A_29 = tpu.memref_slice %arg2[%dma_start3A_27, %dma_start3A_28] : memref<1000000x128xf32, #tpu.memory_space<hbm>> -> memref<1000000x128xf32, #tpu.memory_space<hbm>>
    tpu.enqueue_indirect_dma source(%dma_start3A_29 : memref<1000000x128xf32, #tpu.memory_space<hbm>>) target(%arg6 : memref<64x128xf32, #tpu.memory_space<vmem>>) offsets(%dma_start3A_26 : memref<64xi32, #tpu.memory_space<vmem>>) semaphore(%arg7 : memref<!tpu.dma_semaphore, #tpu.memory_space<semaphore_mem>>)
    %dma_wait3A_30 = arith.constant 128 : i32
    %dma_wait3A_31 = tpu.memref_slice %arg5[%dma_wait3A_30] : memref<448xi32, #tpu.memory_space<vmem>> -> memref<64xi32, #tpu.memory_space<vmem>>
    %dma_wait3A_32 = arith.constant 0 : i32
    %dma_wait3A_33 = arith.constant 0 : i32
    %dma_wait3A_34 = tpu.memref_slice %arg2[%dma_wait3A_32, %dma_wait3A_33] : memref<1000000x128xf32, #tpu.memory_space<hbm>> -> memref<1000000x128xf32, #tpu.memory_space<hbm>>
    tpu.wait_indirect_dma semaphore(%arg7 : memref<!tpu.dma_semaphore, #tpu.memory_space<semaphore_mem>>) src(%dma_wait3A_34 : memref<1000000x128xf32, #tpu.memory_space<hbm>>) dst(%arg6 : memref<64x128xf32, #tpu.memory_space<vmem>>)
    %add3A_35 = arith.constant 128 : i32
    %add3A_36 = arith.addi %mul3A_2, %add3A_35 : i32
    "tpu.region"() ({
      %run_scoped3A = tpu.sem_alloc : memref<!tpu.dma_semaphore, #tpu.memory_space<semaphore_mem>>
      %dma_start3A_85 = arith.constant 0 : i32
      %dma_start3A_86 = tpu.memref_slice %arg4[%add3A_36, %dma_start3A_85] : memref<14336x128xf32, #tpu.memory_space<hbm>> -> memref<64x128xf32, #tpu.memory_space<hbm>>
      %dma_start3A_87 = arith.constant 0 : i32
      %dma_start3A_88 = tpu.memref_slice %arg4[%add3A_36, %dma_start3A_87] : memref<14336x128xf32, #tpu.memory_space<hbm>> -> memref<64x128xf32, #tpu.memory_space<hbm>>
      tpu.enqueue_dma source(%arg6 : memref<64x128xf32, #tpu.memory_space<vmem>>) target(%dma_start3A_88 : memref<64x128xf32, #tpu.memory_space<hbm>>) target_semaphore(%run_scoped3A : memref<!tpu.dma_semaphore, #tpu.memory_space<semaphore_mem>>)
      %dma_wait3A_89 = arith.constant 0 : i32
      %dma_wait3A_90 = tpu.memref_slice %arg4[%add3A_36, %dma_wait3A_89] : memref<14336x128xf32, #tpu.memory_space<hbm>> -> memref<64x128xf32, #tpu.memory_space<hbm>>
      %dma_wait3A_91 = arith.constant 0 : i32
      %dma_wait3A_92 = tpu.memref_slice %arg4[%add3A_36, %dma_wait3A_91] : memref<14336x128xf32, #tpu.memory_space<hbm>> -> memref<64x128xf32, #tpu.memory_space<hbm>>
      tpu.wait_dma2 semaphore(%run_scoped3A : memref<!tpu.dma_semaphore, #tpu.memory_space<semaphore_mem>>) src(%arg6 : memref<64x128xf32, #tpu.memory_space<vmem>>) dst(%dma_wait3A_92 : memref<64x128xf32, #tpu.memory_space<hbm>>)
      tpu.yield
    }) : () -> ()
    %dma_start3A_37 = arith.constant 192 : i32
    %dma_start3A_38 = tpu.memref_slice %arg5[%dma_start3A_37] : memref<448xi32, #tpu.memory_space<vmem>> -> memref<64xi32, #tpu.memory_space<vmem>>
    %dma_start3A_39 = arith.constant 0 : i32
    %dma_start3A_40 = arith.constant 0 : i32
    %dma_start3A_41 = tpu.memref_slice %arg2[%dma_start3A_39, %dma_start3A_40] : memref<1000000x128xf32, #tpu.memory_space<hbm>> -> memref<1000000x128xf32, #tpu.memory_space<hbm>>
    tpu.enqueue_indirect_dma source(%dma_start3A_41 : memref<1000000x128xf32, #tpu.memory_space<hbm>>) target(%arg6 : memref<64x128xf32, #tpu.memory_space<vmem>>) offsets(%dma_start3A_38 : memref<64xi32, #tpu.memory_space<vmem>>) semaphore(%arg7 : memref<!tpu.dma_semaphore, #tpu.memory_space<semaphore_mem>>)
    %dma_wait3A_42 = arith.constant 192 : i32
    %dma_wait3A_43 = tpu.memref_slice %arg5[%dma_wait3A_42] : memref<448xi32, #tpu.memory_space<vmem>> -> memref<64xi32, #tpu.memory_space<vmem>>
    %dma_wait3A_44 = arith.constant 0 : i32
    %dma_wait3A_45 = arith.constant 0 : i32
    %dma_wait3A_46 = tpu.memref_slice %arg2[%dma_wait3A_44, %dma_wait3A_45] : memref<1000000x128xf32, #tpu.memory_space<hbm>> -> memref<1000000x128xf32, #tpu.memory_space<hbm>>
    tpu.wait_indirect_dma semaphore(%arg7 : memref<!tpu.dma_semaphore, #tpu.memory_space<semaphore_mem>>) src(%dma_wait3A_46 : memref<1000000x128xf32, #tpu.memory_space<hbm>>) dst(%arg6 : memref<64x128xf32, #tpu.memory_space<vmem>>)
    %add3A_47 = arith.constant 192 : i32
    %add3A_48 = arith.addi %mul3A_2, %add3A_47 : i32
    "tpu.region"() ({
      %run_scoped3A = tpu.sem_alloc : memref<!tpu.dma_semaphore, #tpu.memory_space<semaphore_mem>>
      %dma_start3A_85 = arith.constant 0 : i32
      %dma_start3A_86 = tpu.memref_slice %arg4[%add3A_48, %dma_start3A_85] : memref<14336x128xf32, #tpu.memory_space<hbm>> -> memref<64x128xf32, #tpu.memory_space<hbm>>
      %dma_start3A_87 = arith.constant 0 : i32
      %dma_start3A_88 = tpu.memref_slice %arg4[%add3A_48, %dma_start3A_87] : memref<14336x128xf32, #tpu.memory_space<hbm>> -> memref<64x128xf32, #tpu.memory_space<hbm>>
      tpu.enqueue_dma source(%arg6 : memref<64x128xf32, #tpu.memory_space<vmem>>) target(%dma_start3A_88 : memref<64x128xf32, #tpu.memory_space<hbm>>) target_semaphore(%run_scoped3A : memref<!tpu.dma_semaphore, #tpu.memory_space<semaphore_mem>>)
      %dma_wait3A_89 = arith.constant 0 : i32
      %dma_wait3A_90 = tpu.memref_slice %arg4[%add3A_48, %dma_wait3A_89] : memref<14336x128xf32, #tpu.memory_space<hbm>> -> memref<64x128xf32, #tpu.memory_space<hbm>>
      %dma_wait3A_91 = arith.constant 0 : i32
      %dma_wait3A_92 = tpu.memref_slice %arg4[%add3A_48, %dma_wait3A_91] : memref<14336x128xf32, #tpu.memory_space<hbm>> -> memref<64x128xf32, #tpu.memory_space<hbm>>
      tpu.wait_dma2 semaphore(%run_scoped3A : memref<!tpu.dma_semaphore, #tpu.memory_space<semaphore_mem>>) src(%arg6 : memref<64x128xf32, #tpu.memory_space<vmem>>) dst(%dma_wait3A_92 : memref<64x128xf32, #tpu.memory_space<hbm>>)
      tpu.yield
    }) : () -> ()
    %dma_start3A_49 = arith.constant 256 : i32
    %dma_start3A_50 = tpu.memref_slice %arg5[%dma_start3A_49] : memref<448xi32, #tpu.memory_space<vmem>> -> memref<64xi32, #tpu.memory_space<vmem>>
    %dma_start3A_51 = arith.constant 0 : i32
    %dma_start3A_52 = arith.constant 0 : i32
    %dma_start3A_53 = tpu.memref_slice %arg2[%dma_start3A_51, %dma_start3A_52] : memref<1000000x128xf32, #tpu.memory_space<hbm>> -> memref<1000000x128xf32, #tpu.memory_space<hbm>>
    tpu.enqueue_indirect_dma source(%dma_start3A_53 : memref<1000000x128xf32, #tpu.memory_space<hbm>>) target(%arg6 : memref<64x128xf32, #tpu.memory_space<vmem>>) offsets(%dma_start3A_50 : memref<64xi32, #tpu.memory_space<vmem>>) semaphore(%arg7 : memref<!tpu.dma_semaphore, #tpu.memory_space<semaphore_mem>>)
    %dma_wait3A_54 = arith.constant 256 : i32
    %dma_wait3A_55 = tpu.memref_slice %arg5[%dma_wait3A_54] : memref<448xi32, #tpu.memory_space<vmem>> -> memref<64xi32, #tpu.memory_space<vmem>>
    %dma_wait3A_56 = arith.constant 0 : i32
    %dma_wait3A_57 = arith.constant 0 : i32
    %dma_wait3A_58 = tpu.memref_slice %arg2[%dma_wait3A_56, %dma_wait3A_57] : memref<1000000x128xf32, #tpu.memory_space<hbm>> -> memref<1000000x128xf32, #tpu.memory_space<hbm>>
    tpu.wait_indirect_dma semaphore(%arg7 : memref<!tpu.dma_semaphore, #tpu.memory_space<semaphore_mem>>) src(%dma_wait3A_58 : memref<1000000x128xf32, #tpu.memory_space<hbm>>) dst(%arg6 : memref<64x128xf32, #tpu.memory_space<vmem>>)
    %add3A_59 = arith.constant 256 : i32
    %add3A_60 = arith.addi %mul3A_2, %add3A_59 : i32
    "tpu.region"() ({
      %run_scoped3A = tpu.sem_alloc : memref<!tpu.dma_semaphore, #tpu.memory_space<semaphore_mem>>
      %dma_start3A_85 = arith.constant 0 : i32
      %dma_start3A_86 = tpu.memref_slice %arg4[%add3A_60, %dma_start3A_85] : memref<14336x128xf32, #tpu.memory_space<hbm>> -> memref<64x128xf32, #tpu.memory_space<hbm>>
      %dma_start3A_87 = arith.constant 0 : i32
      %dma_start3A_88 = tpu.memref_slice %arg4[%add3A_60, %dma_start3A_87] : memref<14336x128xf32, #tpu.memory_space<hbm>> -> memref<64x128xf32, #tpu.memory_space<hbm>>
      tpu.enqueue_dma source(%arg6 : memref<64x128xf32, #tpu.memory_space<vmem>>) target(%dma_start3A_88 : memref<64x128xf32, #tpu.memory_space<hbm>>) target_semaphore(%run_scoped3A : memref<!tpu.dma_semaphore, #tpu.memory_space<semaphore_mem>>)
      %dma_wait3A_89 = arith.constant 0 : i32
      %dma_wait3A_90 = tpu.memref_slice %arg4[%add3A_60, %dma_wait3A_89] : memref<14336x128xf32, #tpu.memory_space<hbm>> -> memref<64x128xf32, #tpu.memory_space<hbm>>
      %dma_wait3A_91 = arith.constant 0 : i32
      %dma_wait3A_92 = tpu.memref_slice %arg4[%add3A_60, %dma_wait3A_91] : memref<14336x128xf32, #tpu.memory_space<hbm>> -> memref<64x128xf32, #tpu.memory_space<hbm>>
      tpu.wait_dma2 semaphore(%run_scoped3A : memref<!tpu.dma_semaphore, #tpu.memory_space<semaphore_mem>>) src(%arg6 : memref<64x128xf32, #tpu.memory_space<vmem>>) dst(%dma_wait3A_92 : memref<64x128xf32, #tpu.memory_space<hbm>>)
      tpu.yield
    }) : () -> ()
    %dma_start3A_61 = arith.constant 320 : i32
    %dma_start3A_62 = tpu.memref_slice %arg5[%dma_start3A_61] : memref<448xi32, #tpu.memory_space<vmem>> -> memref<64xi32, #tpu.memory_space<vmem>>
    %dma_start3A_63 = arith.constant 0 : i32
    %dma_start3A_64 = arith.constant 0 : i32
    %dma_start3A_65 = tpu.memref_slice %arg2[%dma_start3A_63, %dma_start3A_64] : memref<1000000x128xf32, #tpu.memory_space<hbm>> -> memref<1000000x128xf32, #tpu.memory_space<hbm>>
    tpu.enqueue_indirect_dma source(%dma_start3A_65 : memref<1000000x128xf32, #tpu.memory_space<hbm>>) target(%arg6 : memref<64x128xf32, #tpu.memory_space<vmem>>) offsets(%dma_start3A_62 : memref<64xi32, #tpu.memory_space<vmem>>) semaphore(%arg7 : memref<!tpu.dma_semaphore, #tpu.memory_space<semaphore_mem>>)
    %dma_wait3A_66 = arith.constant 320 : i32
    %dma_wait3A_67 = tpu.memref_slice %arg5[%dma_wait3A_66] : memref<448xi32, #tpu.memory_space<vmem>> -> memref<64xi32, #tpu.memory_space<vmem>>
    %dma_wait3A_68 = arith.constant 0 : i32
    %dma_wait3A_69 = arith.constant 0 : i32
    %dma_wait3A_70 = tpu.memref_slice %arg2[%dma_wait3A_68, %dma_wait3A_69] : memref<1000000x128xf32, #tpu.memory_space<hbm>> -> memref<1000000x128xf32, #tpu.memory_space<hbm>>
    tpu.wait_indirect_dma semaphore(%arg7 : memref<!tpu.dma_semaphore, #tpu.memory_space<semaphore_mem>>) src(%dma_wait3A_70 : memref<1000000x128xf32, #tpu.memory_space<hbm>>) dst(%arg6 : memref<64x128xf32, #tpu.memory_space<vmem>>)
    %add3A_71 = arith.constant 320 : i32
    %add3A_72 = arith.addi %mul3A_2, %add3A_71 : i32
    "tpu.region"() ({
      %run_scoped3A = tpu.sem_alloc : memref<!tpu.dma_semaphore, #tpu.memory_space<semaphore_mem>>
      %dma_start3A_85 = arith.constant 0 : i32
      %dma_start3A_86 = tpu.memref_slice %arg4[%add3A_72, %dma_start3A_85] : memref<14336x128xf32, #tpu.memory_space<hbm>> -> memref<64x128xf32, #tpu.memory_space<hbm>>
      %dma_start3A_87 = arith.constant 0 : i32
      %dma_start3A_88 = tpu.memref_slice %arg4[%add3A_72, %dma_start3A_87] : memref<14336x128xf32, #tpu.memory_space<hbm>> -> memref<64x128xf32, #tpu.memory_space<hbm>>
      tpu.enqueue_dma source(%arg6 : memref<64x128xf32, #tpu.memory_space<vmem>>) target(%dma_start3A_88 : memref<64x128xf32, #tpu.memory_space<hbm>>) target_semaphore(%run_scoped3A : memref<!tpu.dma_semaphore, #tpu.memory_space<semaphore_mem>>)
      %dma_wait3A_89 = arith.constant 0 : i32
      %dma_wait3A_90 = tpu.memref_slice %arg4[%add3A_72, %dma_wait3A_89] : memref<14336x128xf32, #tpu.memory_space<hbm>> -> memref<64x128xf32, #tpu.memory_space<hbm>>
      %dma_wait3A_91 = arith.constant 0 : i32
      %dma_wait3A_92 = tpu.memref_slice %arg4[%add3A_72, %dma_wait3A_91] : memref<14336x128xf32, #tpu.memory_space<hbm>> -> memref<64x128xf32, #tpu.memory_space<hbm>>
      tpu.wait_dma2 semaphore(%run_scoped3A : memref<!tpu.dma_semaphore, #tpu.memory_space<semaphore_mem>>) src(%arg6 : memref<64x128xf32, #tpu.memory_space<vmem>>) dst(%dma_wait3A_92 : memref<64x128xf32, #tpu.memory_space<hbm>>)
      tpu.yield
    }) : () -> ()
    %dma_start3A_73 = arith.constant 384 : i32
    %dma_start3A_74 = tpu.memref_slice %arg5[%dma_start3A_73] : memref<448xi32, #tpu.memory_space<vmem>> -> memref<64xi32, #tpu.memory_space<vmem>>
    %dma_start3A_75 = arith.constant 0 : i32
    %dma_start3A_76 = arith.constant 0 : i32
    %dma_start3A_77 = tpu.memref_slice %arg2[%dma_start3A_75, %dma_start3A_76] : memref<1000000x128xf32, #tpu.memory_space<hbm>> -> memref<1000000x128xf32, #tpu.memory_space<hbm>>
    tpu.enqueue_indirect_dma source(%dma_start3A_77 : memref<1000000x128xf32, #tpu.memory_space<hbm>>) target(%arg6 : memref<64x128xf32, #tpu.memory_space<vmem>>) offsets(%dma_start3A_74 : memref<64xi32, #tpu.memory_space<vmem>>) semaphore(%arg7 : memref<!tpu.dma_semaphore, #tpu.memory_space<semaphore_mem>>)
    %dma_wait3A_78 = arith.constant 384 : i32
    %dma_wait3A_79 = tpu.memref_slice %arg5[%dma_wait3A_78] : memref<448xi32, #tpu.memory_space<vmem>> -> memref<64xi32, #tpu.memory_space<vmem>>
    %dma_wait3A_80 = arith.constant 0 : i32
    %dma_wait3A_81 = arith.constant 0 : i32
    %dma_wait3A_82 = tpu.memref_slice %arg2[%dma_wait3A_80, %dma_wait3A_81] : memref<1000000x128xf32, #tpu.memory_space<hbm>> -> memref<1000000x128xf32, #tpu.memory_space<hbm>>
    tpu.wait_indirect_dma semaphore(%arg7 : memref<!tpu.dma_semaphore, #tpu.memory_space<semaphore_mem>>) src(%dma_wait3A_82 : memref<1000000x128xf32, #tpu.memory_space<hbm>>) dst(%arg6 : memref<64x128xf32, #tpu.memory_space<vmem>>)
    %add3A_83 = arith.constant 384 : i32
    %add3A_84 = arith.addi %mul3A_2, %add3A_83 : i32
    "tpu.region"() ({
      %run_scoped3A = tpu.sem_alloc : memref<!tpu.dma_semaphore, #tpu.memory_space<semaphore_mem>>
      %dma_start3A_85 = arith.constant 0 : i32
      %dma_start3A_86 = tpu.memref_slice %arg4[%add3A_84, %dma_start3A_85] : memref<14336x128xf32, #tpu.memory_space<hbm>> -> memref<64x128xf32, #tpu.memory_space<hbm>>
      %dma_start3A_87 = arith.constant 0 : i32
      %dma_start3A_88 = tpu.memref_slice %arg4[%add3A_84, %dma_start3A_87] : memref<14336x128xf32, #tpu.memory_space<hbm>> -> memref<64x128xf32, #tpu.memory_space<hbm>>
      tpu.enqueue_dma source(%arg6 : memref<64x128xf32, #tpu.memory_space<vmem>>) target(%dma_start3A_88 : memref<64x128xf32, #tpu.memory_space<hbm>>) target_semaphore(%run_scoped3A : memref<!tpu.dma_semaphore, #tpu.memory_space<semaphore_mem>>)
      %dma_wait3A_89 = arith.constant 0 : i32
      %dma_wait3A_90 = tpu.memref_slice %arg4[%add3A_84, %dma_wait3A_89] : memref<14336x128xf32, #tpu.memory_space<hbm>> -> memref<64x128xf32, #tpu.memory_space<hbm>>
      %dma_wait3A_91 = arith.constant 0 : i32
      %dma_wait3A_92 = tpu.memref_slice %arg4[%add3A_84, %dma_wait3A_91] : memref<14336x128xf32, #tpu.memory_space<hbm>> -> memref<64x128xf32, #tpu.memory_space<hbm>>
      tpu.wait_dma2 semaphore(%run_scoped3A : memref<!tpu.dma_semaphore, #tpu.memory_space<semaphore_mem>>) src(%arg6 : memref<64x128xf32, #tpu.memory_space<vmem>>) dst(%dma_wait3A_92 : memref<64x128xf32, #tpu.memory_space<hbm>>)
      tpu.yield
    }) : () -> ()
    return
  }
}

#map = affine_map<(d0, d1) -> (0, 0)>
#map1 = affine_map<(d0, d1) -> (0)>
module attributes {stable_mosaic.version = 14 : i64} {
  func.func @gather(%arg0: i32, %arg1: i32, %arg2: memref<1000000x128xf32, #tpu.memory_space<hbm>>, %arg3: memref<14336xi32, #tpu.memory_space<hbm>>, %arg4: memref<14336x128xf32, #tpu.memory_space<hbm>>, %arg5: memref<448xi32, #tpu.memory_space<vmem>>, %arg6: memref<64x128xf32, #tpu.memory_space<vmem>>, %arg7: memref<!tpu.dma_semaphore, #tpu.memory_space<semaphore_mem>>) attributes {dimension_semantics = [#tpu.dimension_semantics<core_parallel>, #tpu.dimension_semantics<subcore_parallel>], iteration_bounds = array<i64: 2, 16>, scalar_prefetch = 0 : i64, scratch_operands = 3 : i64, tpu.core_type = #tpu.core_type<sc_vector_subcore>, window_params = [{transform_indices = #map}, {transform_indices = #map1}, {transform_indices = #map}]} {
    %mul3A = arith.constant 2 : i32
    %mul3A_0 = arith.muli %arg1, %mul3A : i32
    %add3A = arith.addi %mul3A_0, %arg0 : i32
    %mul3A_1 = arith.constant 448 : i32
    %mul3A_2 = arith.muli %add3A, %mul3A_1 : i32
    "tpu.region"() ({
      %run_scoped3A = tpu.sem_alloc : memref<!tpu.dma_semaphore, #tpu.memory_space<semaphore_mem>>
      %dma_start3A_85 = tpu.memref_slice %arg3[%mul3A_2] : memref<14336xi32, #tpu.memory_space<hbm>> -> memref<448xi32, #tpu.memory_space<hbm>>
      %dma_start3A_86 = tpu.memref_slice %arg3[%mul3A_2] : memref<14336xi32, #tpu.memory_space<hbm>> -> memref<448xi32, #tpu.memory_space<hbm>>
      tpu.enqueue_dma source(%dma_start3A_86 : memref<448xi32, #tpu.memory_space<hbm>>) target(%arg5 : memref<448xi32, #tpu.memory_space<vmem>>) target_semaphore(%run_scoped3A : memref<!tpu.dma_semaphore, #tpu.memory_space<semaphore_mem>>)
      %dma_wait3A_87 = tpu.memref_slice %arg3[%mul3A_2] : memref<14336xi32, #tpu.memory_space<hbm>> -> memref<448xi32, #tpu.memory_space<hbm>>
      %dma_wait3A_88 = tpu.memref_slice %arg3[%mul3A_2] : memref<14336xi32, #tpu.memory_space<hbm>> -> memref<448xi32, #tpu.memory_space<hbm>>
      tpu.wait_dma2 semaphore(%run_scoped3A : memref<!tpu.dma_semaphore, #tpu.memory_space<semaphore_mem>>) src(%dma_wait3A_88 : memref<448xi32, #tpu.memory_space<hbm>>) dst(%arg5 : memref<448xi32, #tpu.memory_space<vmem>>)
      tpu.yield
    }) : () -> ()
    %dma_start3A = arith.constant 0 : i32
    %dma_start3A_3 = tpu.memref_slice %arg5[%dma_start3A] : memref<448xi32, #tpu.memory_space<vmem>> -> memref<64xi32, #tpu.memory_space<vmem>>
    %dma_start3A_4 = arith.constant 0 : i32
    %dma_start3A_5 = arith.constant 0 : i32
    %dma_start3A_6 = tpu.memref_slice %arg2[%dma_start3A_4, %dma_start3A_5] : memref<1000000x128xf32, #tpu.memory_space<hbm>> -> memref<1000000x128xf32, #tpu.memory_space<hbm>>
    tpu.enqueue_indirect_dma source(%dma_start3A_6 : memref<1000000x128xf32, #tpu.memory_space<hbm>>) target(%arg6 : memref<64x128xf32, #tpu.memory_space<vmem>>) offsets(%dma_start3A_3 : memref<64xi32, #tpu.memory_space<vmem>>) semaphore(%arg7 : memref<!tpu.dma_semaphore, #tpu.memory_space<semaphore_mem>>)
    %dma_wait3A = arith.constant 0 : i32
    %dma_wait3A_7 = tpu.memref_slice %arg5[%dma_wait3A] : memref<448xi32, #tpu.memory_space<vmem>> -> memref<64xi32, #tpu.memory_space<vmem>>
    %dma_wait3A_8 = arith.constant 0 : i32
    %dma_wait3A_9 = arith.constant 0 : i32
    %dma_wait3A_10 = tpu.memref_slice %arg2[%dma_wait3A_8, %dma_wait3A_9] : memref<1000000x128xf32, #tpu.memory_space<hbm>> -> memref<1000000x128xf32, #tpu.memory_space<hbm>>
    tpu.wait_indirect_dma semaphore(%arg7 : memref<!tpu.dma_semaphore, #tpu.memory_space<semaphore_mem>>) src(%dma_wait3A_10 : memref<1000000x128xf32, #tpu.memory_space<hbm>>) dst(%arg6 : memref<64x128xf32, #tpu.memory_space<vmem>>)
    %add3A_11 = arith.constant 0 : i32
    %add3A_12 = arith.addi %mul3A_2, %add3A_11 : i32
    "tpu.region"() ({
      %run_scoped3A = tpu.sem_alloc : memref<!tpu.dma_semaphore, #tpu.memory_space<semaphore_mem>>
      %dma_start3A_85 = arith.constant 0 : i32
      %dma_start3A_86 = tpu.memref_slice %arg4[%add3A_12, %dma_start3A_85] : memref<14336x128xf32, #tpu.memory_space<hbm>> -> memref<64x128xf32, #tpu.memory_space<hbm>>
      %dma_start3A_87 = arith.constant 0 : i32
      %dma_start3A_88 = tpu.memref_slice %arg4[%add3A_12, %dma_start3A_87] : memref<14336x128xf32, #tpu.memory_space<hbm>> -> memref<64x128xf32, #tpu.memory_space<hbm>>
      tpu.enqueue_dma source(%arg6 : memref<64x128xf32, #tpu.memory_space<vmem>>) target(%dma_start3A_88 : memref<64x128xf32, #tpu.memory_space<hbm>>) target_semaphore(%run_scoped3A : memref<!tpu.dma_semaphore, #tpu.memory_space<semaphore_mem>>)
      %dma_wait3A_89 = arith.constant 0 : i32
      %dma_wait3A_90 = tpu.memref_slice %arg4[%add3A_12, %dma_wait3A_89] : memref<14336x128xf32, #tpu.memory_space<hbm>> -> memref<64x128xf32, #tpu.memory_space<hbm>>
      %dma_wait3A_91 = arith.constant 0 : i32
      %dma_wait3A_92 = tpu.memref_slice %arg4[%add3A_12, %dma_wait3A_91] : memref<14336x128xf32, #tpu.memory_space<hbm>> -> memref<64x128xf32, #tpu.memory_space<hbm>>
      tpu.wait_dma2 semaphore(%run_scoped3A : memref<!tpu.dma_semaphore, #tpu.memory_space<semaphore_mem>>) src(%arg6 : memref<64x128xf32, #tpu.memory_space<vmem>>) dst(%dma_wait3A_92 : memref<64x128xf32, #tpu.memory_space<hbm>>)
      tpu.yield
    }) : () -> ()
    %dma_start3A_13 = arith.constant 64 : i32
    %dma_start3A_14 = tpu.memref_slice %arg5[%dma_start3A_13] : memref<448xi32, #tpu.memory_space<vmem>> -> memref<64xi32, #tpu.memory_space<vmem>>
    %dma_start3A_15 = arith.constant 0 : i32
    %dma_start3A_16 = arith.constant 0 : i32
    %dma_start3A_17 = tpu.memref_slice %arg2[%dma_start3A_15, %dma_start3A_16] : memref<1000000x128xf32, #tpu.memory_space<hbm>> -> memref<1000000x128xf32, #tpu.memory_space<hbm>>
    tpu.enqueue_indirect_dma source(%dma_start3A_17 : memref<1000000x128xf32, #tpu.memory_space<hbm>>) target(%arg6 : memref<64x128xf32, #tpu.memory_space<vmem>>) offsets(%dma_start3A_14 : memref<64xi32, #tpu.memory_space<vmem>>) semaphore(%arg7 : memref<!tpu.dma_semaphore, #tpu.memory_space<semaphore_mem>>)
    %dma_wait3A_18 = arith.constant 64 : i32
    %dma_wait3A_19 = tpu.memref_slice %arg5[%dma_wait3A_18] : memref<448xi32, #tpu.memory_space<vmem>> -> memref<64xi32, #tpu.memory_space<vmem>>
    %dma_wait3A_20 = arith.constant 0 : i32
    %dma_wait3A_21 = arith.constant 0 : i32
    %dma_wait3A_22 = tpu.memref_slice %arg2[%dma_wait3A_20, %dma_wait3A_21] : memref<1000000x128xf32, #tpu.memory_space<hbm>> -> memref<1000000x128xf32, #tpu.memory_space<hbm>>
    tpu.wait_indirect_dma semaphore(%arg7 : memref<!tpu.dma_semaphore, #tpu.memory_space<semaphore_mem>>) src(%dma_wait3A_22 : memref<1000000x128xf32, #tpu.memory_space<hbm>>) dst(%arg6 : memref<64x128xf32, #tpu.memory_space<vmem>>)
    %add3A_23 = arith.constant 64 : i32
    %add3A_24 = arith.addi %mul3A_2, %add3A_23 : i32
    "tpu.region"() ({
      %run_scoped3A = tpu.sem_alloc : memref<!tpu.dma_semaphore, #tpu.memory_space<semaphore_mem>>
      %dma_start3A_85 = arith.constant 0 : i32
      %dma_start3A_86 = tpu.memref_slice %arg4[%add3A_24, %dma_start3A_85] : memref<14336x128xf32, #tpu.memory_space<hbm>> -> memref<64x128xf32, #tpu.memory_space<hbm>>
      %dma_start3A_87 = arith.constant 0 : i32
      %dma_start3A_88 = tpu.memref_slice %arg4[%add3A_24, %dma_start3A_87] : memref<14336x128xf32, #tpu.memory_space<hbm>> -> memref<64x128xf32, #tpu.memory_space<hbm>>
      tpu.enqueue_dma source(%arg6 : memref<64x128xf32, #tpu.memory_space<vmem>>) target(%dma_start3A_88 : memref<64x128xf32, #tpu.memory_space<hbm>>) target_semaphore(%run_scoped3A : memref<!tpu.dma_semaphore, #tpu.memory_space<semaphore_mem>>)
      %dma_wait3A_89 = arith.constant 0 : i32
      %dma_wait3A_90 = tpu.memref_slice %arg4[%add3A_24, %dma_wait3A_89] : memref<14336x128xf32, #tpu.memory_space<hbm>> -> memref<64x128xf32, #tpu.memory_space<hbm>>
      %dma_wait3A_91 = arith.constant 0 : i32
      %dma_wait3A_92 = tpu.memref_slice %arg4[%add3A_24, %dma_wait3A_91] : memref<14336x128xf32, #tpu.memory_space<hbm>> -> memref<64x128xf32, #tpu.memory_space<hbm>>
      tpu.wait_dma2 semaphore(%run_scoped3A : memref<!tpu.dma_semaphore, #tpu.memory_space<semaphore_mem>>) src(%arg6 : memref<64x128xf32, #tpu.memory_space<vmem>>) dst(%dma_wait3A_92 : memref<64x128xf32, #tpu.memory_space<hbm>>)
      tpu.yield
    }) : () -> ()
    %dma_start3A_25 = arith.constant 128 : i32
    %dma_start3A_26 = tpu.memref_slice %arg5[%dma_start3A_25] : memref<448xi32, #tpu.memory_space<vmem>> -> memref<64xi32, #tpu.memory_space<vmem>>
    %dma_start3A_27 = arith.constant 0 : i32
    %dma_start3A_28 = arith.constant 0 : i32
    %dma_start3A_29 = tpu.memref_slice %arg2[%dma_start3A_27, %dma_start3A_28] : memref<1000000x128xf32, #tpu.memory_space<hbm>> -> memref<1000000x128xf32, #tpu.memory_space<hbm>>
    tpu.enqueue_indirect_dma source(%dma_start3A_29 : memref<1000000x128xf32, #tpu.memory_space<hbm>>) target(%arg6 : memref<64x128xf32, #tpu.memory_space<vmem>>) offsets(%dma_start3A_26 : memref<64xi32, #tpu.memory_space<vmem>>) semaphore(%arg7 : memref<!tpu.dma_semaphore, #tpu.memory_space<semaphore_mem>>)
    %dma_wait3A_30 = arith.constant 128 : i32
    %dma_wait3A_31 = tpu.memref_slice %arg5[%dma_wait3A_30] : memref<448xi32, #tpu.memory_space<vmem>> -> memref<64xi32, #tpu.memory_space<vmem>>
    %dma_wait3A_32 = arith.constant 0 : i32
    %dma_wait3A_33 = arith.constant 0 : i32
    %dma_wait3A_34 = tpu.memref_slice %arg2[%dma_wait3A_32, %dma_wait3A_33] : memref<1000000x128xf32, #tpu.memory_space<hbm>> -> memref<1000000x128xf32, #tpu.memory_space<hbm>>
    tpu.wait_indirect_dma semaphore(%arg7 : memref<!tpu.dma_semaphore, #tpu.memory_space<semaphore_mem>>) src(%dma_wait3A_34 : memref<1000000x128xf32, #tpu.memory_space<hbm>>) dst(%arg6 : memref<64x128xf32, #tpu.memory_space<vmem>>)
    %add3A_35 = arith.constant 128 : i32
    %add3A_36 = arith.addi %mul3A_2, %add3A_35 : i32
    "tpu.region"() ({
      %run_scoped3A = tpu.sem_alloc : memref<!tpu.dma_semaphore, #tpu.memory_space<semaphore_mem>>
      %dma_start3A_85 = arith.constant 0 : i32
      %dma_start3A_86 = tpu.memref_slice %arg4[%add3A_36, %dma_start3A_85] : memref<14336x128xf32, #tpu.memory_space<hbm>> -> memref<64x128xf32, #tpu.memory_space<hbm>>
      %dma_start3A_87 = arith.constant 0 : i32
      %dma_start3A_88 = tpu.memref_slice %arg4[%add3A_36, %dma_start3A_87] : memref<14336x128xf32, #tpu.memory_space<hbm>> -> memref<64x128xf32, #tpu.memory_space<hbm>>
      tpu.enqueue_dma source(%arg6 : memref<64x128xf32, #tpu.memory_space<vmem>>) target(%dma_start3A_88 : memref<64x128xf32, #tpu.memory_space<hbm>>) target_semaphore(%run_scoped3A : memref<!tpu.dma_semaphore, #tpu.memory_space<semaphore_mem>>)
      %dma_wait3A_89 = arith.constant 0 : i32
      %dma_wait3A_90 = tpu.memref_slice %arg4[%add3A_36, %dma_wait3A_89] : memref<14336x128xf32, #tpu.memory_space<hbm>> -> memref<64x128xf32, #tpu.memory_space<hbm>>
      %dma_wait3A_91 = arith.constant 0 : i32
      %dma_wait3A_92 = tpu.memref_slice %arg4[%add3A_36, %dma_wait3A_91] : memref<14336x128xf32, #tpu.memory_space<hbm>> -> memref<64x128xf32, #tpu.memory_space<hbm>>
      tpu.wait_dma2 semaphore(%run_scoped3A : memref<!tpu.dma_semaphore, #tpu.memory_space<semaphore_mem>>) src(%arg6 : memref<64x128xf32, #tpu.memory_space<vmem>>) dst(%dma_wait3A_92 : memref<64x128xf32, #tpu.memory_space<hbm>>)
      tpu.yield
    }) : () -> ()
    %dma_start3A_37 = arith.constant 192 : i32
    %dma_start3A_38 = tpu.memref_slice %arg5[%dma_start3A_37] : memref<448xi32, #tpu.memory_space<vmem>> -> memref<64xi32, #tpu.memory_space<vmem>>
    %dma_start3A_39 = arith.constant 0 : i32
    %dma_start3A_40 = arith.constant 0 : i32
    %dma_start3A_41 = tpu.memref_slice %arg2[%dma_start3A_39, %dma_start3A_40] : memref<1000000x128xf32, #tpu.memory_space<hbm>> -> memref<1000000x128xf32, #tpu.memory_space<hbm>>
    tpu.enqueue_indirect_dma source(%dma_start3A_41 : memref<1000000x128xf32, #tpu.memory_space<hbm>>) target(%arg6 : memref<64x128xf32, #tpu.memory_space<vmem>>) offsets(%dma_start3A_38 : memref<64xi32, #tpu.memory_space<vmem>>) semaphore(%arg7 : memref<!tpu.dma_semaphore, #tpu.memory_space<semaphore_mem>>)
    %dma_wait3A_42 = arith.constant 192 : i32
    %dma_wait3A_43 = tpu.memref_slice %arg5[%dma_wait3A_42] : memref<448xi32, #tpu.memory_space<vmem>> -> memref<64xi32, #tpu.memory_space<vmem>>
    %dma_wait3A_44 = arith.constant 0 : i32
    %dma_wait3A_45 = arith.constant 0 : i32
    %dma_wait3A_46 = tpu.memref_slice %arg2[%dma_wait3A_44, %dma_wait3A_45] : memref<1000000x128xf32, #tpu.memory_space<hbm>> -> memref<1000000x128xf32, #tpu.memory_space<hbm>>
    tpu.wait_indirect_dma semaphore(%arg7 : memref<!tpu.dma_semaphore, #tpu.memory_space<semaphore_mem>>) src(%dma_wait3A_46 : memref<1000000x128xf32, #tpu.memory_space<hbm>>) dst(%arg6 : memref<64x128xf32, #tpu.memory_space<vmem>>)
    %add3A_47 = arith.constant 192 : i32
    %add3A_48 = arith.addi %mul3A_2, %add3A_47 : i32
    "tpu.region"() ({
      %run_scoped3A = tpu.sem_alloc : memref<!tpu.dma_semaphore, #tpu.memory_space<semaphore_mem>>
      %dma_start3A_85 = arith.constant 0 : i32
      %dma_start3A_86 = tpu.memref_slice %arg4[%add3A_48, %dma_start3A_85] : memref<14336x128xf32, #tpu.memory_space<hbm>> -> memref<64x128xf32, #tpu.memory_space<hbm>>
      %dma_start3A_87 = arith.constant 0 : i32
      %dma_start3A_88 = tpu.memref_slice %arg4[%add3A_48, %dma_start3A_87] : memref<14336x128xf32, #tpu.memory_space<hbm>> -> memref<64x128xf32, #tpu.memory_space<hbm>>
      tpu.enqueue_dma source(%arg6 : memref<64x128xf32, #tpu.memory_space<vmem>>) target(%dma_start3A_88 : memref<64x128xf32, #tpu.memory_space<hbm>>) target_semaphore(%run_scoped3A : memref<!tpu.dma_semaphore, #tpu.memory_space<semaphore_mem>>)
      %dma_wait3A_89 = arith.constant 0 : i32
      %dma_wait3A_90 = tpu.memref_slice %arg4[%add3A_48, %dma_wait3A_89] : memref<14336x128xf32, #tpu.memory_space<hbm>> -> memref<64x128xf32, #tpu.memory_space<hbm>>
      %dma_wait3A_91 = arith.constant 0 : i32
      %dma_wait3A_92 = tpu.memref_slice %arg4[%add3A_48, %dma_wait3A_91] : memref<14336x128xf32, #tpu.memory_space<hbm>> -> memref<64x128xf32, #tpu.memory_space<hbm>>
      tpu.wait_dma2 semaphore(%run_scoped3A : memref<!tpu.dma_semaphore, #tpu.memory_space<semaphore_mem>>) src(%arg6 : memref<64x128xf32, #tpu.memory_space<vmem>>) dst(%dma_wait3A_92 : memref<64x128xf32, #tpu.memory_space<hbm>>)
      tpu.yield
    }) : () -> ()
    %dma_start3A_49 = arith.constant 256 : i32
    %dma_start3A_50 = tpu.memref_slice %arg5[%dma_start3A_49] : memref<448xi32, #tpu.memory_space<vmem>> -> memref<64xi32, #tpu.memory_space<vmem>>
    %dma_start3A_51 = arith.constant 0 : i32
    %dma_start3A_52 = arith.constant 0 : i32
    %dma_start3A_53 = tpu.memref_slice %arg2[%dma_start3A_51, %dma_start3A_52] : memref<1000000x128xf32, #tpu.memory_space<hbm>> -> memref<1000000x128xf32, #tpu.memory_space<hbm>>
    tpu.enqueue_indirect_dma source(%dma_start3A_53 : memref<1000000x128xf32, #tpu.memory_space<hbm>>) target(%arg6 : memref<64x128xf32, #tpu.memory_space<vmem>>) offsets(%dma_start3A_50 : memref<64xi32, #tpu.memory_space<vmem>>) semaphore(%arg7 : memref<!tpu.dma_semaphore, #tpu.memory_space<semaphore_mem>>)
    %dma_wait3A_54 = arith.constant 256 : i32
    %dma_wait3A_55 = tpu.memref_slice %arg5[%dma_wait3A_54] : memref<448xi32, #tpu.memory_space<vmem>> -> memref<64xi32, #tpu.memory_space<vmem>>
    %dma_wait3A_56 = arith.constant 0 : i32
    %dma_wait3A_57 = arith.constant 0 : i32
    %dma_wait3A_58 = tpu.memref_slice %arg2[%dma_wait3A_56, %dma_wait3A_57] : memref<1000000x128xf32, #tpu.memory_space<hbm>> -> memref<1000000x128xf32, #tpu.memory_space<hbm>>
    tpu.wait_indirect_dma semaphore(%arg7 : memref<!tpu.dma_semaphore, #tpu.memory_space<semaphore_mem>>) src(%dma_wait3A_58 : memref<1000000x128xf32, #tpu.memory_space<hbm>>) dst(%arg6 : memref<64x128xf32, #tpu.memory_space<vmem>>)
    %add3A_59 = arith.constant 256 : i32
    %add3A_60 = arith.addi %mul3A_2, %add3A_59 : i32
    "tpu.region"() ({
      %run_scoped3A = tpu.sem_alloc : memref<!tpu.dma_semaphore, #tpu.memory_space<semaphore_mem>>
      %dma_start3A_85 = arith.constant 0 : i32
      %dma_start3A_86 = tpu.memref_slice %arg4[%add3A_60, %dma_start3A_85] : memref<14336x128xf32, #tpu.memory_space<hbm>> -> memref<64x128xf32, #tpu.memory_space<hbm>>
      %dma_start3A_87 = arith.constant 0 : i32
      %dma_start3A_88 = tpu.memref_slice %arg4[%add3A_60, %dma_start3A_87] : memref<14336x128xf32, #tpu.memory_space<hbm>> -> memref<64x128xf32, #tpu.memory_space<hbm>>
      tpu.enqueue_dma source(%arg6 : memref<64x128xf32, #tpu.memory_space<vmem>>) target(%dma_start3A_88 : memref<64x128xf32, #tpu.memory_space<hbm>>) target_semaphore(%run_scoped3A : memref<!tpu.dma_semaphore, #tpu.memory_space<semaphore_mem>>)
      %dma_wait3A_89 = arith.constant 0 : i32
      %dma_wait3A_90 = tpu.memref_slice %arg4[%add3A_60, %dma_wait3A_89] : memref<14336x128xf32, #tpu.memory_space<hbm>> -> memref<64x128xf32, #tpu.memory_space<hbm>>
      %dma_wait3A_91 = arith.constant 0 : i32
      %dma_wait3A_92 = tpu.memref_slice %arg4[%add3A_60, %dma_wait3A_91] : memref<14336x128xf32, #tpu.memory_space<hbm>> -> memref<64x128xf32, #tpu.memory_space<hbm>>
      tpu.wait_dma2 semaphore(%run_scoped3A : memref<!tpu.dma_semaphore, #tpu.memory_space<semaphore_mem>>) src(%arg6 : memref<64x128xf32, #tpu.memory_space<vmem>>) dst(%dma_wait3A_92 : memref<64x128xf32, #tpu.memory_space<hbm>>)
      tpu.yield
    }) : () -> ()
    %dma_start3A_61 = arith.constant 320 : i32
    %dma_start3A_62 = tpu.memref_slice %arg5[%dma_start3A_61] : memref<448xi32, #tpu.memory_space<vmem>> -> memref<64xi32, #tpu.memory_space<vmem>>
    %dma_start3A_63 = arith.constant 0 : i32
    %dma_start3A_64 = arith.constant 0 : i32
    %dma_start3A_65 = tpu.memref_slice %arg2[%dma_start3A_63, %dma_start3A_64] : memref<1000000x128xf32, #tpu.memory_space<hbm>> -> memref<1000000x128xf32, #tpu.memory_space<hbm>>
    tpu.enqueue_indirect_dma source(%dma_start3A_65 : memref<1000000x128xf32, #tpu.memory_space<hbm>>) target(%arg6 : memref<64x128xf32, #tpu.memory_space<vmem>>) offsets(%dma_start3A_62 : memref<64xi32, #tpu.memory_space<vmem>>) semaphore(%arg7 : memref<!tpu.dma_semaphore, #tpu.memory_space<semaphore_mem>>)
    %dma_wait3A_66 = arith.constant 320 : i32
    %dma_wait3A_67 = tpu.memref_slice %arg5[%dma_wait3A_66] : memref<448xi32, #tpu.memory_space<vmem>> -> memref<64xi32, #tpu.memory_space<vmem>>
    %dma_wait3A_68 = arith.constant 0 : i32
    %dma_wait3A_69 = arith.constant 0 : i32
    %dma_wait3A_70 = tpu.memref_slice %arg2[%dma_wait3A_68, %dma_wait3A_69] : memref<1000000x128xf32, #tpu.memory_space<hbm>> -> memref<1000000x128xf32, #tpu.memory_space<hbm>>
    tpu.wait_indirect_dma semaphore(%arg7 : memref<!tpu.dma_semaphore, #tpu.memory_space<semaphore_mem>>) src(%dma_wait3A_70 : memref<1000000x128xf32, #tpu.memory_space<hbm>>) dst(%arg6 : memref<64x128xf32, #tpu.memory_space<vmem>>)
    %add3A_71 = arith.constant 320 : i32
    %add3A_72 = arith.addi %mul3A_2, %add3A_71 : i32
    "tpu.region"() ({
      %run_scoped3A = tpu.sem_alloc : memref<!tpu.dma_semaphore, #tpu.memory_space<semaphore_mem>>
      %dma_start3A_85 = arith.constant 0 : i32
      %dma_start3A_86 = tpu.memref_slice %arg4[%add3A_72, %dma_start3A_85] : memref<14336x128xf32, #tpu.memory_space<hbm>> -> memref<64x128xf32, #tpu.memory_space<hbm>>
      %dma_start3A_87 = arith.constant 0 : i32
      %dma_start3A_88 = tpu.memref_slice %arg4[%add3A_72, %dma_start3A_87] : memref<14336x128xf32, #tpu.memory_space<hbm>> -> memref<64x128xf32, #tpu.memory_space<hbm>>
      tpu.enqueue_dma source(%arg6 : memref<64x128xf32, #tpu.memory_space<vmem>>) target(%dma_start3A_88 : memref<64x128xf32, #tpu.memory_space<hbm>>) target_semaphore(%run_scoped3A : memref<!tpu.dma_semaphore, #tpu.memory_space<semaphore_mem>>)
      %dma_wait3A_89 = arith.constant 0 : i32
      %dma_wait3A_90 = tpu.memref_slice %arg4[%add3A_72, %dma_wait3A_89] : memref<14336x128xf32, #tpu.memory_space<hbm>> -> memref<64x128xf32, #tpu.memory_space<hbm>>
      %dma_wait3A_91 = arith.constant 0 : i32
      %dma_wait3A_92 = tpu.memref_slice %arg4[%add3A_72, %dma_wait3A_91] : memref<14336x128xf32, #tpu.memory_space<hbm>> -> memref<64x128xf32, #tpu.memory_space<hbm>>
      tpu.wait_dma2 semaphore(%run_scoped3A : memref<!tpu.dma_semaphore, #tpu.memory_space<semaphore_mem>>) src(%arg6 : memref<64x128xf32, #tpu.memory_space<vmem>>) dst(%dma_wait3A_92 : memref<64x128xf32, #tpu.memory_space<hbm>>)
      tpu.yield
    }) : () -> ()
    %dma_start3A_73 = arith.constant 384 : i32
    %dma_start3A_74 = tpu.memref_slice %arg5[%dma_start3A_73] : memref<448xi32, #tpu.memory_space<vmem>> -> memref<64xi32, #tpu.memory_space<vmem>>
    %dma_start3A_75 = arith.constant 0 : i32
    %dma_start3A_76 = arith.constant 0 : i32
    %dma_start3A_77 = tpu.memref_slice %arg2[%dma_start3A_75, %dma_start3A_76] : memref<1000000x128xf32, #tpu.memory_space<hbm>> -> memref<1000000x128xf32, #tpu.memory_space<hbm>>
    tpu.enqueue_indirect_dma source(%dma_start3A_77 : memref<1000000x128xf32, #tpu.memory_space<hbm>>) target(%arg6 : memref<64x128xf32, #tpu.memory_space<vmem>>) offsets(%dma_start3A_74 : memref<64xi32, #tpu.memory_space<vmem>>) semaphore(%arg7 : memref<!tpu.dma_semaphore, #tpu.memory_space<semaphore_mem>>)
    %dma_wait3A_78 = arith.constant 384 : i32
    %dma_wait3A_79 = tpu.memref_slice %arg5[%dma_wait3A_78] : memref<448xi32, #tpu.memory_space<vmem>> -> memref<64xi32, #tpu.memory_space<vmem>>
    %dma_wait3A_80 = arith.constant 0 : i32
    %dma_wait3A_81 = arith.constant 0 : i32
    %dma_wait3A_82 = tpu.memref_slice %arg2[%dma_wait3A_80, %dma_wait3A_81] : memref<1000000x128xf32, #tpu.memory_space<hbm>> -> memref<1000000x128xf32, #tpu.memory_space<hbm>>
    tpu.wait_indirect_dma semaphore(%arg7 : memref<!tpu.dma_semaphore, #tpu.memory_space<semaphore_mem>>) src(%dma_wait3A_82 : memref<1000000x128xf32, #tpu.memory_space<hbm>>) dst(%arg6 : memref<64x128xf32, #tpu.memory_space<vmem>>)
    %add3A_83 = arith.constant 384 : i32
    %add3A_84 = arith.addi %mul3A_2, %add3A_83 : i32
    "tpu.region"() ({
      %run_scoped3A = tpu.sem_alloc : memref<!tpu.dma_semaphore, #tpu.memory_space<semaphore_mem>>
      %dma_start3A_85 = arith.constant 0 : i32
      %dma_start3A_86 = tpu.memref_slice %arg4[%add3A_84, %dma_start3A_85] : memref<14336x128xf32, #tpu.memory_space<hbm>> -> memref<64x128xf32, #tpu.memory_space<hbm>>
      %dma_start3A_87 = arith.constant 0 : i32
      %dma_start3A_88 = tpu.memref_slice %arg4[%add3A_84, %dma_start3A_87] : memref<14336x128xf32, #tpu.memory_space<hbm>> -> memref<64x128xf32, #tpu.memory_space<hbm>>
      tpu.enqueue_dma source(%arg6 : memref<64x128xf32, #tpu.memory_space<vmem>>) target(%dma_start3A_88 : memref<64x128xf32, #tpu.memory_space<hbm>>) target_semaphore(%run_scoped3A : memref<!tpu.dma_semaphore, #tpu.memory_space<semaphore_mem>>)
      %dma_wait3A_89 = arith.constant 0 : i32
      %dma_wait3A_90 = tpu.memref_slice %arg4[%add3A_84, %dma_wait3A_89] : memref<14336x128xf32, #tpu.memory_space<hbm>> -> memref<64x128xf32, #tpu.memory_space<hbm>>
      %dma_wait3A_91 = arith.constant 0 : i32
      %dma_wait3A_92 = tpu.memref_slice %arg4[%add3A_84, %dma_wait3A_91] : memref<14336x128xf32, #tpu.memory_space<hbm>> -> memref<64x128xf32, #tpu.memory_space<hbm>>
      tpu.wait_dma2 semaphore(%run_scoped3A : memref<!tpu.dma_semaphore, #tpu.memory_space<semaphore_mem>>) src(%arg6 : memref<64x128xf32, #tpu.memory_space<vmem>>) dst(%dma_wait3A_92 : memref<64x128xf32, #tpu.memory_space<hbm>>)
      tpu.yield
    }) : () -> ()
    return
  }
}

module attributes {stable_mosaic.version = 14 : i64} {
  func.func @_proj_body_alias(%arg0: i32, %arg1: memref<1024x50x1024xf32, #tpu.memory_space<any>>, %arg2: memref<3584x128xf32, #tpu.memory_space<vmem>>, %arg3: memref<1024x128xf32, #tpu.memory_space<vmem>>, %arg4: memref<64x50x1024xf32, #tpu.memory_space<vmem>>) attributes {dimension_semantics = [#tpu.dimension_semantics<parallel>], iteration_bounds = array<i64: 4>, scalar_prefetch = 0 : i64, scratch_operands = 0 : i64, tpu.core_type = #tpu.core_type<tc>, window_params = [{}, {transform_indices = @transform_1, window_bounds = array<i64: 3584, 128>}, {pipeline_mode = #tpu.pipeline_mode<synchronous>, transform_indices = @transform_2, window_bounds = array<i64: 1024, 128>}, {transform_indices = @transform_3, window_bounds = array<i64: 64, 50, 1024>}]} {
    %get3A = arith.constant 0 : index
    %get3A_0 = arith.constant 0 : index
    %get3A_1 = vector.load %arg2[%get3A, %get3A_0] : memref<3584x128xf32, #tpu.memory_space<vmem>>, vector<3584x128xf32>
    %get3A_2 = arith.constant 0 : index
    %get3A_3 = arith.constant 0 : index
    %get3A_4 = vector.load %arg3[%get3A_2, %get3A_3] : memref<1024x128xf32, #tpu.memory_space<vmem>>, vector<1024x128xf32>
    %dot_general3A = arith.constant dense<0.000000e+00> : vector<3584x1024xf32>
    %dot_general3A_5 = tpu.matmul %get3A_1, %get3A_4, %dot_general3A {dimension_numbers = #tpu.dot_dimension_numbers<[1], [1], [0], [0], [0, 0, 1, 0], [], []>, transpose_lhs_hint = false} : vector<3584x128xf32>, vector<1024x128xf32>, vector<3584x1024xf32> -> vector<3584x1024xf32>
    %reshape3A = vector.shape_cast %dot_general3A_5 : vector<3584x1024xf32> to vector<64x56x1024xf32>
    %slice3A = vector.extract_strided_slice %reshape3A {offsets = [0, 0, 0], sizes = [64, 50, 1024], strides = [1, 1, 1]} : vector<64x56x1024xf32> to vector<64x50x1024xf32>
    %swap3A = arith.constant 0 : index
    %swap3A_6 = arith.constant 0 : index
    %swap3A_7 = arith.constant 0 : index
    %swap3A_8 = vector.load %arg4[%swap3A, %swap3A_6, %swap3A_7] : memref<64x50x1024xf32, #tpu.memory_space<vmem>>, vector<64x50x1024xf32>
    tpu.vector_store %arg4[%swap3A, %swap3A_6, %swap3A_7], %slice3A {strides = array<i32>} : memref<64x50x1024xf32, #tpu.memory_space<vmem>>, vector<64x50x1024xf32>,
    return
  }
  func.func @transform_1(%arg0: i32) -> (i32, i32) {
    %c0_i32 = arith.constant 0 : i32
    %c0_i32_0 = arith.constant 0 : i32
    return %arg0, %c0_i32 : i32, i32
  }
  func.func @transform_2(%arg0: i32) -> (i32, i32) {
    %c0_i32 = arith.constant 0 : i32
    %c0_i32_0 = arith.constant 0 : i32
    %c0_i32_1 = arith.constant 0 : i32
    return %c0_i32, %c0_i32_0 : i32, i32
  }
  func.func @transform_3(%arg0: i32) -> (i32, i32, i32) {
    %add3A = arith.constant 4 : i32
    %add3A_0 = arith.addi %arg0, %add3A : i32
    %c0_i32 = arith.constant 0 : i32
    %c0_i32_1 = arith.constant 0 : i32
    %c0_i32_2 = arith.constant 0 : i32
    return %add3A_0, %c0_i32, %c0_i32_1 : i32, i32, i32
  }
}

module attributes {stable_mosaic.version = 14 : i64} {
  func.func @_proj_body(%arg0: i32, %arg1: memref<3584x128xf32, #tpu.memory_space<vmem>>, %arg2: memref<1024x128xf32, #tpu.memory_space<vmem>>, %arg3: memref<64x50x1024xf32, #tpu.memory_space<vmem>>) attributes {dimension_semantics = [#tpu.dimension_semantics<parallel>], iteration_bounds = array<i64: 4>, scalar_prefetch = 0 : i64, scratch_operands = 0 : i64, tpu.core_type = #tpu.core_type<tc>, window_params = [{transform_indices = @transform_0, window_bounds = array<i64: 3584, 128>}, {pipeline_mode = #tpu.pipeline_mode<synchronous>, transform_indices = @transform_1, window_bounds = array<i64: 1024, 128>}, {transform_indices = @transform_2, window_bounds = array<i64: 64, 50, 1024>}]} {
    %get3A = arith.constant 0 : index
    %get3A_0 = arith.constant 0 : index
    %get3A_1 = vector.load %arg1[%get3A, %get3A_0] : memref<3584x128xf32, #tpu.memory_space<vmem>>, vector<3584x128xf32>
    %get3A_2 = arith.constant 0 : index
    %get3A_3 = arith.constant 0 : index
    %get3A_4 = vector.load %arg2[%get3A_2, %get3A_3] : memref<1024x128xf32, #tpu.memory_space<vmem>>, vector<1024x128xf32>
    %dot_general3A = arith.constant dense<0.000000e+00> : vector<3584x1024xf32>
    %dot_general3A_5 = tpu.matmul %get3A_1, %get3A_4, %dot_general3A {dimension_numbers = #tpu.dot_dimension_numbers<[1], [1], [0], [0], [0, 0, 1, 0], [], []>, transpose_lhs_hint = false} : vector<3584x128xf32>, vector<1024x128xf32>, vector<3584x1024xf32> -> vector<3584x1024xf32>
    %reshape3A = vector.shape_cast %dot_general3A_5 : vector<3584x1024xf32> to vector<64x56x1024xf32>
    %slice3A = vector.extract_strided_slice %reshape3A {offsets = [0, 0, 0], sizes = [64, 50, 1024], strides = [1, 1, 1]} : vector<64x56x1024xf32> to vector<64x50x1024xf32>
    %swap3A = arith.constant 0 : index
    %swap3A_6 = arith.constant 0 : index
    %swap3A_7 = arith.constant 0 : index
    %swap3A_8 = vector.load %arg3[%swap3A, %swap3A_6, %swap3A_7] : memref<64x50x1024xf32, #tpu.memory_space<vmem>>, vector<64x50x1024xf32>
    tpu.vector_store %arg3[%swap3A, %swap3A_6, %swap3A_7], %slice3A {strides = array<i32>} : memref<64x50x1024xf32, #tpu.memory_space<vmem>>, vector<64x50x1024xf32>,
    return
  }
  func.func @transform_0(%arg0: i32) -> (i32, i32) {
    %c0_i32 = arith.constant 0 : i32
    %c0_i32_0 = arith.constant 0 : i32
    return %arg0, %c0_i32 : i32, i32
  }
  func.func @transform_1(%arg0: i32) -> (i32, i32) {
    %c0_i32 = arith.constant 0 : i32
    %c0_i32_0 = arith.constant 0 : i32
    %c0_i32_1 = arith.constant 0 : i32
    return %c0_i32, %c0_i32_0 : i32, i32
  }
  func.func @transform_2(%arg0: i32) -> (i32, i32, i32) {
    %add3A = arith.constant 0 : i32
    %add3A_0 = arith.addi %arg0, %add3A : i32
    %c0_i32 = arith.constant 0 : i32
    %c0_i32_1 = arith.constant 0 : i32
    %c0_i32_2 = arith.constant 0 : i32
    return %add3A_0, %c0_i32, %c0_i32_1 : i32, i32, i32
  }
}

module attributes {stable_mosaic.version = 14 : i64} {
  func.func @_proj_body_alias(%arg0: i32, %arg1: memref<1024x50x1024xf32, #tpu.memory_space<any>>, %arg2: memref<3584x128xf32, #tpu.memory_space<vmem>>, %arg3: memref<1024x128xf32, #tpu.memory_space<vmem>>, %arg4: memref<64x50x1024xf32, #tpu.memory_space<vmem>>) attributes {dimension_semantics = [#tpu.dimension_semantics<parallel>], iteration_bounds = array<i64: 4>, scalar_prefetch = 0 : i64, scratch_operands = 0 : i64, tpu.core_type = #tpu.core_type<tc>, window_params = [{}, {transform_indices = @transform_1, window_bounds = array<i64: 3584, 128>}, {pipeline_mode = #tpu.pipeline_mode<synchronous>, transform_indices = @transform_2, window_bounds = array<i64: 1024, 128>}, {transform_indices = @transform_3, window_bounds = array<i64: 64, 50, 1024>}]} {
    %get3A = arith.constant 0 : index
    %get3A_0 = arith.constant 0 : index
    %get3A_1 = vector.load %arg2[%get3A, %get3A_0] : memref<3584x128xf32, #tpu.memory_space<vmem>>, vector<3584x128xf32>
    %get3A_2 = arith.constant 0 : index
    %get3A_3 = arith.constant 0 : index
    %get3A_4 = vector.load %arg3[%get3A_2, %get3A_3] : memref<1024x128xf32, #tpu.memory_space<vmem>>, vector<1024x128xf32>
    %dot_general3A = arith.constant dense<0.000000e+00> : vector<3584x1024xf32>
    %dot_general3A_5 = tpu.matmul %get3A_1, %get3A_4, %dot_general3A {dimension_numbers = #tpu.dot_dimension_numbers<[1], [1], [0], [0], [0, 0, 1, 0], [], []>, transpose_lhs_hint = false} : vector<3584x128xf32>, vector<1024x128xf32>, vector<3584x1024xf32> -> vector<3584x1024xf32>
    %reshape3A = vector.shape_cast %dot_general3A_5 : vector<3584x1024xf32> to vector<64x56x1024xf32>
    %slice3A = vector.extract_strided_slice %reshape3A {offsets = [0, 0, 0], sizes = [64, 50, 1024], strides = [1, 1, 1]} : vector<64x56x1024xf32> to vector<64x50x1024xf32>
    %swap3A = arith.constant 0 : index
    %swap3A_6 = arith.constant 0 : index
    %swap3A_7 = arith.constant 0 : index
    %swap3A_8 = vector.load %arg4[%swap3A, %swap3A_6, %swap3A_7] : memref<64x50x1024xf32, #tpu.memory_space<vmem>>, vector<64x50x1024xf32>
    tpu.vector_store %arg4[%swap3A, %swap3A_6, %swap3A_7], %slice3A {strides = array<i32>} : memref<64x50x1024xf32, #tpu.memory_space<vmem>>, vector<64x50x1024xf32>,
    return
  }
  func.func @transform_1(%arg0: i32) -> (i32, i32) {
    %c0_i32 = arith.constant 0 : i32
    %c0_i32_0 = arith.constant 0 : i32
    return %arg0, %c0_i32 : i32, i32
  }
  func.func @transform_2(%arg0: i32) -> (i32, i32) {
    %c0_i32 = arith.constant 0 : i32
    %c0_i32_0 = arith.constant 0 : i32
    %c0_i32_1 = arith.constant 0 : i32
    return %c0_i32, %c0_i32_0 : i32, i32
  }
  func.func @transform_3(%arg0: i32) -> (i32, i32, i32) {
    %add3A = arith.constant 8 : i32
    %add3A_0 = arith.addi %arg0, %add3A : i32
    %c0_i32 = arith.constant 0 : i32
    %c0_i32_1 = arith.constant 0 : i32
    %c0_i32_2 = arith.constant 0 : i32
    return %add3A_0, %c0_i32, %c0_i32_1 : i32, i32, i32
  }
}

module attributes {stable_mosaic.version = 14 : i64} {
  func.func @_proj_body_alias(%arg0: i32, %arg1: memref<1024x50x1024xf32, #tpu.memory_space<any>>, %arg2: memref<3584x128xf32, #tpu.memory_space<vmem>>, %arg3: memref<1024x128xf32, #tpu.memory_space<vmem>>, %arg4: memref<64x50x1024xf32, #tpu.memory_space<vmem>>) attributes {dimension_semantics = [#tpu.dimension_semantics<parallel>], iteration_bounds = array<i64: 4>, scalar_prefetch = 0 : i64, scratch_operands = 0 : i64, tpu.core_type = #tpu.core_type<tc>, window_params = [{}, {transform_indices = @transform_1, window_bounds = array<i64: 3584, 128>}, {pipeline_mode = #tpu.pipeline_mode<synchronous>, transform_indices = @transform_2, window_bounds = array<i64: 1024, 128>}, {transform_indices = @transform_3, window_bounds = array<i64: 64, 50, 1024>}]} {
    %get3A = arith.constant 0 : index
    %get3A_0 = arith.constant 0 : index
    %get3A_1 = vector.load %arg2[%get3A, %get3A_0] : memref<3584x128xf32, #tpu.memory_space<vmem>>, vector<3584x128xf32>
    %get3A_2 = arith.constant 0 : index
    %get3A_3 = arith.constant 0 : index
    %get3A_4 = vector.load %arg3[%get3A_2, %get3A_3] : memref<1024x128xf32, #tpu.memory_space<vmem>>, vector<1024x128xf32>
    %dot_general3A = arith.constant dense<0.000000e+00> : vector<3584x1024xf32>
    %dot_general3A_5 = tpu.matmul %get3A_1, %get3A_4, %dot_general3A {dimension_numbers = #tpu.dot_dimension_numbers<[1], [1], [0], [0], [0, 0, 1, 0], [], []>, transpose_lhs_hint = false} : vector<3584x128xf32>, vector<1024x128xf32>, vector<3584x1024xf32> -> vector<3584x1024xf32>
    %reshape3A = vector.shape_cast %dot_general3A_5 : vector<3584x1024xf32> to vector<64x56x1024xf32>
    %slice3A = vector.extract_strided_slice %reshape3A {offsets = [0, 0, 0], sizes = [64, 50, 1024], strides = [1, 1, 1]} : vector<64x56x1024xf32> to vector<64x50x1024xf32>
    %swap3A = arith.constant 0 : index
    %swap3A_6 = arith.constant 0 : index
    %swap3A_7 = arith.constant 0 : index
    %swap3A_8 = vector.load %arg4[%swap3A, %swap3A_6, %swap3A_7] : memref<64x50x1024xf32, #tpu.memory_space<vmem>>, vector<64x50x1024xf32>
    tpu.vector_store %arg4[%swap3A, %swap3A_6, %swap3A_7], %slice3A {strides = array<i32>} : memref<64x50x1024xf32, #tpu.memory_space<vmem>>, vector<64x50x1024xf32>,
    return
  }
  func.func @transform_1(%arg0: i32) -> (i32, i32) {
    %c0_i32 = arith.constant 0 : i32
    %c0_i32_0 = arith.constant 0 : i32
    return %arg0, %c0_i32 : i32, i32
  }
  func.func @transform_2(%arg0: i32) -> (i32, i32) {
    %c0_i32 = arith.constant 0 : i32
    %c0_i32_0 = arith.constant 0 : i32
    %c0_i32_1 = arith.constant 0 : i32
    return %c0_i32, %c0_i32_0 : i32, i32
  }
  func.func @transform_3(%arg0: i32) -> (i32, i32, i32) {
    %add3A = arith.constant 12 : i32
    %add3A_0 = arith.addi %arg0, %add3A : i32
    %c0_i32 = arith.constant 0 : i32
    %c0_i32_1 = arith.constant 0 : i32
    %c0_i32_2 = arith.constant 0 : i32
    return %add3A_0, %c0_i32, %c0_i32_1 : i32, i32, i32
  }
}

</mosaic_0001>

<sc_bundles>
// kernel: kernel.10.cloned.1.call-start
scs
__scs_entry_jumppad:
0x0: {  	(pc) =	sbr.rel $0x88, $3  }
0x1: {  	(tag) =	ssettag $0x0;
	lr =	simm.s32 $0x1  }
0x2: {  	[smem:$0x3F9E] =	sst lr;
	_ =	strace $0xD0000000  }
0x3: {  	_ = 	snop  }
0x4: {  	_ = 	snop  }
0x5: {  	_ = 	snop  }
0x6: {  	_ = 	snop  }
0x7: {  	_ = 	snop  }
__scs_overlays_trampoline_lowered:
0x8: {  	[smem:$0x3FAD] =	sst s0  }
0x9: {  	[smem:$0x3FAE] =	sst s1  }
0xa: {  	[smem:$0x3FAF] =	sst s2  }
0xb: {  	[smem:$0x3FB0] =	sst s3  }
0xc: {  	[smem:$0x3FB1] =	sst s4  }
0xd: {  	[smem:$0x3FB2] =	sst s5  }
0xe: {  	[smem:$0x3FB3] =	sst s6  }
0xf: {  	[smem:$0x3FB4] =	sst s7  }
0x10: {  	[smem:$0x3FB5] =	sst s8  }
0x11: {  	[smem:$0x3FB6] =	sst s9;
	s0 =	simm.s32 @!p0 $0x0  }
0x12: {  	s1 =	sld [smem:$0x3F9C];
	s0 =	simm.s32 @p0 $0x1  }
0x13: {  	[smem:$0x3FB7] =	sst s0;
	s0 =	simm.s32 @!p1 $0x0  }
0x14: {  	s2 =	sld [smem:$0x3F9B];
	s0 =	simm.s32 @p1 $0x1  }
0x15: {  	[smem:$0x3FB8] =	sst s0;
	s0 =	simm.s32 @!p2 $0x0  }
0x16: {  	s3 =	sld [smem:$0x3FDB];
	s0 =	simm.s32 @p2 $0x1  }
0x17: {  	s4 =	simm.s32 $0x1BF5;
	[smem:$0x3FBA] =	sst s0  }
0x18: {  	s0 =	sld [smem:$0x3F9D];
	_ =	swait.ge [sflag:s4], $0x0  }
0x19: {  	s7 =	sld [smem:$0x3F9E]  }
0x1a: {  	s8 =	sadd.s32 $0xFFFFE003, lr  }
0x1b: {  	s9 =	sadd.s32 $0xFFFFFEF7, lr;
	s5 =	simm.s32 $0xFFFFFFFF;
	p2 =	slt.u32 s8, $0xFFFFF086  }
0x1c: {  	p1 =	slt.u32 s9, $0xF7A;
	s5 =	simm.s32 @!p2 $0x0  }
0x1d: {  	s5 =	simm.s32 @p1 $0x1;
	p0 =	seq.s32 s7, s2  }
0x1e: {  	s7 =	smul.u32 @!p0 $0xF7A, s2;
	p2 =	seq.s32 @!p0 s5, $0x0  }
0x1f: {  	s9 =	smul.u32 $0xF7A, s1;
	s8 =	simm.s32 @!p0 $0x1BF5;
	p2 =	por !p2, p0  }
0x20: {  	[sflag:s8] =	ssyncset.s32 @!p0 $0xFFFFF086;
	s6 =	sadd.s32 @!p0 s3, s7;
	s7 =	simm.s32 @!p0 $0x108  }
0x21: {  	s3 =	sadd.s32 s3, s9;
	s6 =	sadd.s32 @!p0 $0x88, s6;
	s7 =	simm.s32 @p2 $0x1082  }
0x22: {  	[simem:s7], [sflag:s8] =	dma.local @!p0 [hbm:s6], $0xF7A  }
0x23: {  	s9 =	sor.u32 $0xD0000000, s2;
	s6 =	simm.s32 $0x108;
	_ =	swait.ge @!p0 [sflag:s8], $0x0  }
0x24: {  	s3 =	sadd.s32 $0x88, s3;
	s6 =	simm.s32 @!p1 $0x1082;
	[sflag:s4] =	ssyncset.s32 $0xFFFFF086  }
0x25: {  	[simem:s6], [sflag:s4] =	dma.local [hbm:s3], $0xF7A  }
0x26: {  	[smem:$0x3F9E] =	sst s1;
	(tag) =	ssettag s2;
	_ =	strace s9  }
0x27: {  	s1 =	sld [smem:$0x3FAE]  }
0x28: {  	s2 =	sld [smem:$0x3FAF]  }
0x29: {  	s4 =	sld [smem:$0x3FB1]  }
0x2a: {  	p0 =	seq.s32 s5, $0x0;
	s5 =	sld [smem:$0x3FB2]  }
0x2b: {  	s6 =	sld [smem:$0x3FB3]  }
0x2c: {  	s7 =	sld [smem:$0x3FB4]  }
0x2d: {  	s3 =	simm.s32 $0x108;
	s8 =	sld [smem:$0x3FB5]  }
0x2e: {  	s3 =	simm.s32 @!p0 $0x1082;
	s9 =	sld [smem:$0x3FB6]  }
0x2f: {  	lr =	sadd.s32 s0, s3;
	s0 =	sld [smem:$0x3FAD]  }
0x30: {  	s3 =	sld [smem:$0x3FB0]  }
0x31: {  	[smem:$0x3FB9] =	sst s10  }
0x32: {  	s10 =	sld [smem:$0x3FB7];
	_ =	sdelay $0x3  }
0x33: {  	p0 =	seq.s32 s10, $0x1;
	s10 =	sld [smem:$0x3FB9];
	_ =	sdelay $0x3  }
0x34: {  	[smem:$0x3FB9] =	sst s10  }
0x35: {  	s10 =	sld [smem:$0x3FB8];
	_ =	sdelay $0x3  }
0x36: {  	p1 =	seq.s32 s10, $0x1;
	s10 =	sld [smem:$0x3FB9];
	_ =	sdelay $0x3  }
0x37: {  	[smem:$0x3FB9] =	sst s10  }
0x38: {  	s10 =	sld [smem:$0x3FBA]  }
0x39: {  	_ = 	snop;
	(pc) =	sbr.ind lr, $3  }
0x3a: {  	_ = 	snop  }
0x3b: {  	_ = 	snop  }
0x3c: {  	p2 =	seq.s32 s10, $0x1;
	s10 =	sld [smem:$0x3FB9]  }
0x3d: {  	_ =	shalt  }
0x3e: {  	_ =	shalt  }
0x3f: {  	_ =	shalt  }
0x40: {  	_ =	shalt  }
0x41: {  	_ =	shalt  }
0x42: {  	_ =	shalt  }
0x43: {  	_ =	shalt  }
0x44: {  	_ =	shalt  }
0x45: {  	_ =	shalt  }
0x46: {  	_ =	shalt  }
0x47: {  	_ =	shalt  }
0x48: {  	_ =	shalt  }
0x49: {  	_ =	shalt  }
0x4a: {  	_ =	shalt  }
0x4b: {  	_ =	shalt  }
0x4c: {  	_ =	shalt  }
0x4d: {  	_ =	shalt  }
0x4e: {  	_ =	shalt  }
0x4f: {  	_ =	shalt  }
0x50: {  	_ =	shalt  }
0x51: {  	_ =	shalt  }
0x52: {  	_ =	shalt  }
0x53: {  	_ =	shalt  }
0x54: {  	_ =	shalt  }
0x55: {  	_ =	shalt  }
0x56: {  	_ =	shalt  }
0x57: {  	_ =	shalt  }
0x58: {  	_ =	shalt  }
0x59: {  	_ =	shalt  }
0x5a: {  	_ =	shalt  }
0x5b: {  	_ =	shalt  }
0x5c: {  	_ =	shalt  }
0x5d: {  	_ =	shalt  }
0x5e: {  	_ =	shalt  }
0x5f: {  	_ =	shalt  }
0x60: {  	_ =	shalt  }
0x61: {  	_ =	shalt  }
0x62: {  	_ =	shalt  }
0x63: {  	_ =	shalt  }
0x64: {  	_ =	shalt  }
0x65: {  	_ =	shalt  }
0x66: {  	_ =	shalt  }
0x67: {  	_ =	shalt  }
0x68: {  	_ =	shalt  }
0x69: {  	_ =	shalt  }
0x6a: {  	_ =	shalt  }
0x6b: {  	_ =	shalt  }
0x6c: {  	_ =	shalt  }
0x6d: {  	_ =	shalt  }
0x6e: {  	_ =	shalt  }
0x6f: {  	_ =	shalt  }
0x70: {  	_ =	shalt  }
0x71: {  	_ =	shalt  }
0x72: {  	_ =	shalt  }
0x73: {  	_ =	shalt  }
0x74: {  	_ =	shalt  }
0x75: {  	_ =	shalt  }
0x76: {  	_ =	shalt  }
0x77: {  	_ =	shalt  }
0x78: {  	_ =	shalt  }
0x79: {  	_ =	shalt  }
0x7a: {  	_ =	shalt  }
0x7b: {  	_ =	shalt  }
0x7c: {  	_ =	shalt  }
0x7d: {  	_ =	shalt  }
0x7e: {  	_ =	shalt  }
0x7f: {  	_ =	shalt  }
0x80: {  	_ =	shalt  }
0x81: {  	_ =	shalt  }
0x82: {  	_ =	shalt  }
0x83: {  	_ =	shalt  }
0x84: {  	_ =	shalt  }
0x85: {  	_ =	shalt  }
0x86: {  	_ =	shalt  }
0x87: {  	_ =	shalt  }
.Lfunc_end0:
.L_simem_size_0:
called_computation_lowered:
.L_overlay_start_0:
0x88: {  	s2 =	sld [smem:$0x3FD9]  }
0x89: {  	s3 =	sld [smem:$0x3FFE];
	_ =	sdelay $0x1  }
0x8a: {  	s1 =	srdreg.scid  }
0x8b: {  	s0 =	sand.u32 $0x1, s1  }
0x8c: {  	s17 =	sshll.u32 s0, $0xA;
	s2 =	sadd.s32 s3, s2  }
0x8d: {  	s2 =	sadd.s32 s2, s17  }
0x8e: {  	[smem:$0x3FC5] =	sst s2  }
0x8f: {  	_ = 	snop  }
0x90: {  	s2 =	sld [smem:$0x3FC8];
	(tm) =	ssettm $0x1  }
0x91: {  	s18 =	sld [smem:$0x3FFB];
	_ =	sdelay $0x3  }
0x92: {  	_ =	strace s18  }
0x93: {  	s3 =	sld [smem:$0x3FFC];
	_ =	sdelay $0x3  }
0x94: {  	_ =	strace s3  }
0x95: {  	s3 =	sld [smem:$0x3FFD];
	_ =	sdelay $0x3  }
0x96: {  	_ =	strace s3  }
0x97: {  	_ =	strace $0x8FFFFFFF  }
0x98: {  	s19 =	sld [smem:$0x3FDB];
	_ =	sdelay $0x1  }
0x99: {  	s4 =	simm.s32 $_scs_section_size  }
0x9a: {  	s5 =	simm.s32 $_size__tile_overlayer_lowered;
	s6 =	simm.s32 $_tile_overlayer_lowered  }
0x9b: {  	s22 =	simm.s32 $0x1BFF;
	s21 =	sshll.u32 s6, $0x1;
	s3 =	sadd.s32 s4, s19  }
0x9c: {  	s7 =	simm.s32 $0x0;
	s20 =	sshll.u32 s5, $0x1;
	s5 =	sadd.s32 s21, s3  }
0x9d: {  	[timem:s7], [sflag:s22] =	dma.local [hbm:s5], s20  }
0x9e: {  	_ =	swait.ge [sflag:s22], s20  }
0x9f: {  	s4 =	ssub.s32 $0x0, s20;
	[sflag:s22] =	ssyncset.done $0x0  }
0xa0: {  	[sflag:s22] =	ssyncadd.s32 s4;
	_ =	sdelay $0x1  }
0xa1: {  	s23 =	simm.s32 $0x1B8B  }
0xa2: {  	_ =	swait.ge [sflag:s23], $0x1  }
0xa3: {  	[sflag:s23] =	ssyncset.done $0x0  }
0xa4: {  	s25 =	simm.s32 $0x1B8E;
	s24 =	sld [smem:$0x3FFE];
	[sflag:s23] =	ssyncadd.s32 $0xFFFFFFFF  }
0xa5: {  	s26 =	simm.s32 $execute0_lowered;
	[smem:$0x3FD2] =	sst s25  }
0xa6: {  	s5 =	sshll.u32 s26, $0x1;
	_ =	strace $0x80000046;
	[dreg:$0x1] =	wrdreg $0xFFFFFFFF  }
0xa7: {  	s28 =	simm.s32 $_size_execute0_lowered;
	s3 =	sadd.s32 s3, s5;
	[dreg:$0x0] =	wrdreg $0x0  }
0xa8: {  	s5 =	sshll.u32 s28, $0x1;
	[dreg:$0x2] =	wrdreg s3  }
0xa9: {  	[dreg:$0x3] =	wrdreg s5  }
0xaa: {  	[dreg:$0x4] =	wrdreg $0xC0  }
0xab: {  	_ =	task [dreg:s7], $0x5FFFF  }
0xac: {  	[dreg:$0x1] =	wrdreg $0xFFFFFFFF  }
0xad: {  	[dreg:$0x0] =	wrdreg $0x60  }
0xae: {  	[dreg:$0x2] =	wrdreg s2  }
0xaf: {  	[dreg:$0x3] =	wrdreg s24  }
0xb0: {  	[dreg:$0x4] =	wrdreg $0x9  }
0xb1: {  	_ =	task.clear_ibuf [dreg:s7], $0x5FFFF;
	_ =	strace $0x90000046  }
0xb2: {  	s29 =	simm.s32 $0x9;
	_ =	strace $0x80000048  }
0xb3: {  	_ =	swait.ge [sflag:s29], $0x1  }
0xb4: {  	[sflag:s29] =	ssyncadd.s32 $0xFFFFFFFF  }
0xb5: {  	_ =	strace $0x90000048  }
0xb6: {  	_ =	sfence  }
0xb7: {  	s30 =	sld [smem:$0x0];
	_ =	sdelay $0x2  }
0xb8: {  	s31 =	sshll.u32 s1, $0xD;
	s1 =	sshrl.u32 s1, $0x2  }
0xb9: {  	s3 =	sand.u32 $0x4000, s31;
	s1 =	sadd.s32 s1, s30  }
0xba: {  	s0 =	sor.u32 s3, s0;
	s1 =	sshll.u32 s1, $0x11  }
0xbb: {  	s0 =	sor.u32 s1, s0  }
0xbc: {  	s0 =	sadd.s32 $0x8F2B, s0  }
0xbd: {  	[sflag:s0] =	ssyncadd.remote.s32 $0x1  }
0xbe: {  	_ =	sfence.sel $0xFFFF  }
0xbf: {  	[dreg:$0x0] =	wrdreg $0xFFFFFFFF;
	(pc) =	sbr.abs _section_cstart, $3  }
0xc0: {  	[dreg:$0x1] =	wrdreg $0xFFFFFFFF  }
0xc1: {  	_ =	task.clear_ibuf [dreg:s7], $0x2FFFF;
	_ =	strace $0x9FFFFFFF  }
0xc2: {  	(tm) =	ssettm $0x7FFFFFFF  }
0xc3: {  	_ =	shalt  }
tec
execute0_lowered:
.L_overlay_start_1:
0x0: {  	(tag) =	ssettag $0x1  }
0x1: {  	s1 =	srdreg.scid;
	s0 =	stileid.u32  }
0x2: {  	s19 =	sand.u32 $0x1, s1;
	s31 =	sshll.u32 s0, $0x1  }
0x3: {  	s2 =	rddreg [dreg:$0x0];
	s10 =	sor.u32 s19, s31  }
0x4: {  	s9 =	rddreg [dreg:$0x1];
	s4 =	smul.u32 $0x38, s10  }
0x5: {  	s3 =	simm.s32 $0x0;
	s1 =	rddreg [dreg:$0x2]  }
0x6: {  	[smem:$0x7FF] =	sst s3;
	s4 =	sadd.s32 s4, s9  }
0x7: {  	_ =	strace $0x80000047;
	s5 =	sadd.s32 $0x3200, s4;
	s4 =	simm.s32 $0x2  }
0x8: {  	[tilespmem:s3], [sflag:$0x2] =	stream.linear.gather [hbm4b:s5+s3], $0x1C0, $0x38;
	[tilespmem:$0x2200] =	vst v63  }
0x9: {  	_ =	swait.ge [sflag:s4], $0x1C0  }
0xa: {  	s6 =	simm.s32 $0x40;
	[sflag:s4] =	ssyncset.done $0x0  }
0xb: {  	s7 =	simm.s32 $0x200;
	s8 =	simm.s32 $0x1;
	[sflag:s4] =	ssyncadd.s32 $0xFFFFFE40  }
0xc: {  	[tilespmem:s7], [sflag:$0x1] =	stream.indirect.gather [hbm4b:s2+s6], $0x80, s3, s6, $0xb8;
	[tilespmem:$0x2200] =	vst v63  }
0xd: {  	s11 =	smul.u32 $0x1C00, s10;
	_ =	swait.ge [sflag:s8], $0x2000  }
0xe: {  	s12 =	sadd.s32 $0x3A00, s9;
	[sflag:s8] =	ssyncset.done $0x0  }
0xf: {  	s9 =	sadd.s32 s12, s11;
	[sflag:s8] =	ssyncadd.s32 $0xFFFFE000  }
0x10: {  	[hbm4b:s9+s3] =	stream.linear.scatter [tilespmem:s7], [sflag:$0x2], $0x2000, $0x38;
	[tilespmem:$0x2200] =	vst v63  }
0x11: {  	_ =	swait.ge [sflag:s4], $0x2000  }
0x12: {  	[sflag:s4] =	ssyncset.done $0x0  }
0x13: {  	s10 =	smul.u32 $0xE000, s10;
	[sflag:s4] =	ssyncadd.s32 $0xFFFFE000  }
0x14: {  	[tilespmem:s7], [sflag:$0x1] =	stream.indirect.gather [hbm4b:s2+s6], $0x80, s6, s6, $0xb8;
	[tilespmem:$0x2200] =	vst v63  }
0x15: {  	s10 =	sshrl.u32 s10, $0x3;
	_ =	swait.ge [sflag:s8], $0x2000  }
0x16: {  	s20 =	sadd.s32 s12, s10;
	[sflag:s8] =	ssyncset.done $0x0  }
0x17: {  	s10 =	sadd.s32 $0x400, s20;
	[sflag:s8] =	ssyncadd.s32 $0xFFFFE000  }
0x18: {  	[hbm4b:s10+s3] =	stream.linear.scatter [tilespmem:s7], [sflag:$0x2], $0x2000, $0x38;
	[tilespmem:$0x2200] =	vst v63  }
0x19: {  	_ =	swait.ge [sflag:s4], $0x2000  }
0x1a: {  	[sflag:s4] =	ssyncset.done $0x0  }
0x1b: {  	s11 =	simm.s32 $0x80;
	[sflag:s4] =	ssyncadd.s32 $0xFFFFE000  }
0x1c: {  	[tilespmem:s7], [sflag:$0x1] =	stream.indirect.gather [hbm4b:s2+s6], $0x80, s11, s6, $0xb8;
	[tilespmem:$0x2200] =	vst v63  }
0x1d: {  	_ =	swait.ge [sflag:s8], $0x2000  }
0x1e: {  	[sflag:s8] =	ssyncset.done $0x0  }
0x1f: {  	s12 =	sadd.s32 $0x800, s20;
	[sflag:s8] =	ssyncadd.s32 $0xFFFFE000  }
0x20: {  	[hbm4b:s12+s3] =	stream.linear.scatter [tilespmem:s7], [sflag:$0x2], $0x2000, $0x38;
	[tilespmem:$0x2200] =	vst v63  }
0x21: {  	_ =	swait.ge [sflag:s4], $0x2000  }
0x22: {  	[sflag:s4] =	ssyncset.done $0x0  }
0x23: {  	s13 =	simm.s32 $0xC0;
	[sflag:s4] =	ssyncadd.s32 $0xFFFFE000  }
0x24: {  	[tilespmem:s7], [sflag:$0x1] =	stream.indirect.gather [hbm4b:s2+s6], $0x80, s13, s6, $0xb8;
	[tilespmem:$0x2200] =	vst v63  }
0x25: {  	_ =	swait.ge [sflag:s8], $0x2000  }
0x26: {  	[sflag:s8] =	ssyncset.done $0x0  }
0x27: {  	s14 =	sadd.s32 $0xC00, s20;
	[sflag:s8] =	ssyncadd.s32 $0xFFFFE000  }
0x28: {  	[hbm4b:s14+s3] =	stream.linear.scatter [tilespmem:s7], [sflag:$0x2], $0x2000, $0x38;
	[tilespmem:$0x2200] =	vst v63  }
0x29: {  	_ =	swait.ge [sflag:s4], $0x2000  }
0x2a: {  	[sflag:s4] =	ssyncset.done $0x0  }
0x2b: {  	s15 =	simm.s32 $0x100;
	[sflag:s4] =	ssyncadd.s32 $0xFFFFE000  }
0x2c: {  	[tilespmem:s7], [sflag:$0x1] =	stream.indirect.gather [hbm4b:s2+s6], $0x80, s15, s6, $0xb8;
	[tilespmem:$0x2200] =	vst v63  }
0x2d: {  	_ =	swait.ge [sflag:s8], $0x2000  }
0x2e: {  	[sflag:s8] =	ssyncset.done $0x0  }
0x2f: {  	s16 =	sadd.s32 $0x1000, s20;
	[sflag:s8] =	ssyncadd.s32 $0xFFFFE000  }
0x30: {  	[hbm4b:s16+s3] =	stream.linear.scatter [tilespmem:s7], [sflag:$0x2], $0x2000, $0x38;
	[tilespmem:$0x2200] =	vst v63  }
0x31: {  	_ =	swait.ge [sflag:s4], $0x2000  }
0x32: {  	[sflag:s4] =	ssyncset.done $0x0  }
0x33: {  	s17 =	simm.s32 $0x140;
	[sflag:s4] =	ssyncadd.s32 $0xFFFFE000  }
0x34: {  	[tilespmem:s7], [sflag:$0x1] =	stream.indirect.gather [hbm4b:s2+s6], $0x80, s17, s6, $0xb8;
	[tilespmem:$0x2200] =	vst v63  }
0x35: {  	_ =	swait.ge [sflag:s8], $0x2000  }
0x36: {  	[sflag:s8] =	ssyncset.done $0x0  }
0x37: {  	s21 =	ssub.s32 $0x2, s19;
	s18 =	sadd.s32 $0x1400, s20;
	[sflag:s8] =	ssyncadd.s32 $0xFFFFE000  }
0x38: {  	[hbm4b:s18+s3] =	stream.linear.scatter [tilespmem:s7], [sflag:$0x2], $0x2000, $0x38;
	[tilespmem:$0x2200] =	vst v63  }
0x39: {  	s22 =	sshrl.u32 s21, $0x1;
	_ =	swait.ge [sflag:s4], $0x2000  }
0x3a: {  	s21 =	ssub.s32 s21, s22;
	[sflag:s4] =	ssyncset.done $0x0  }
0x3b: {  	s19 =	simm.s32 $0x180;
	s21 =	smax.u32 s21, $0x1;
	[sflag:s4] =	ssyncadd.s32 $0xFFFFE000  }
0x3c: {  	[tilespmem:s7], [sflag:$0x1] =	stream.indirect.gather [hbm4b:s2+s6], $0x80, s19, s6, $0xb8;
	[tilespmem:$0x2200] =	vst v63  }
0x3d: {  	p0 =	sne.s32 s21, $0x1;
	_ =	swait.ge [sflag:s8], $0x2000  }
.Ltmp0:
0x3e: {  	[sflag:s8] =	ssyncset.done $0x0;
	(pc) =	sbr.rel @!p0 .LBB2_2-.Ltmp0, $4  }
0x3f: {  	s20 =	sadd.s32 $0x1800, s20;
	[sflag:s8] =	ssyncadd.s32 $0xFFFFE000  }
0x40: {  	[hbm4b:s20+s3] =	stream.linear.scatter [tilespmem:s7], [sflag:$0x2], $0x2000, $0x38;
	[tilespmem:$0x2200] =	vst v63  }
0x41: {  	_ =	swait.ge [sflag:s4], $0x2000  }
0x42: {  	s21 =	sadd.s32 $0xFFFFFFFF, s21;
	[sflag:s4] =	ssyncset.done $0x0  }
.LBB2_1:
0x43: {  	p0 =	sne.s32 s21, $0x1;
	s21 =	sadd.s32 $0xFFFFFFFF, s21;
	[sflag:s4] =	ssyncadd.s32 $0xFFFFE000  }
0x44: {  	[tilespmem:s3], [sflag:$0x2] =	stream.linear.gather [hbm4b:s5+s3], $0x1C0, $0x38;
	[tilespmem:$0x2200] =	vst v63  }
0x45: {  	_ =	swait.ge [sflag:s4], $0x1C0  }
0x46: {  	[sflag:s4] =	ssyncset.done $0x0  }
0x47: {  	[sflag:s4] =	ssyncadd.s32 $0xFFFFFE40  }
0x48: {  	[tilespmem:s7], [sflag:$0x1] =	stream.indirect.gather [hbm4b:s2+s6], $0x80, s3, s6, $0xb8;
	[tilespmem:$0x2200] =	vst v63  }
0x49: {  	_ =	swait.ge [sflag:s8], $0x2000  }
0x4a: {  	[sflag:s8] =	ssyncset.done $0x0  }
0x4b: {  	[sflag:s8] =	ssyncadd.s32 $0xFFFFE000  }
0x4c: {  	[hbm4b:s9+s3] =	stream.linear.scatter [tilespmem:s7], [sflag:$0x2], $0x2000, $0x38;
	[tilespmem:$0x2200] =	vst v63  }
0x4d: {  	_ =	swait.ge [sflag:s4], $0x2000  }
0x4e: {  	[sflag:s4] =	ssyncset.done $0x0  }
0x4f: {  	[sflag:s4] =	ssyncadd.s32 $0xFFFFE000  }
0x50: {  	[tilespmem:s7], [sflag:$0x1] =	stream.indirect.gather [hbm4b:s2+s6], $0x80, s6, s6, $0xb8;
	[tilespmem:$0x2200] =	vst v63  }
0x51: {  	_ =	swait.ge [sflag:s8], $0x2000  }
0x52: {  	[sflag:s8] =	ssyncset.done $0x0  }
0x53: {  	[sflag:s8] =	ssyncadd.s32 $0xFFFFE000  }
0x54: {  	[hbm4b:s10+s3] =	stream.linear.scatter [tilespmem:s7], [sflag:$0x2], $0x2000, $0x38;
	[tilespmem:$0x2200] =	vst v63  }
0x55: {  	_ =	swait.ge [sflag:s4], $0x2000  }
0x56: {  	[sflag:s4] =	ssyncset.done $0x0  }
0x57: {  	[sflag:s4] =	ssyncadd.s32 $0xFFFFE000  }
0x58: {  	[tilespmem:s7], [sflag:$0x1] =	stream.indirect.gather [hbm4b:s2+s6], $0x80, s11, s6, $0xb8;
	[tilespmem:$0x2200] =	vst v63  }
0x59: {  	_ =	swait.ge [sflag:s8], $0x2000  }
0x5a: {  	[sflag:s8] =	ssyncset.done $0x0  }
0x5b: {  	[sflag:s8] =	ssyncadd.s32 $0xFFFFE000  }
0x5c: {  	[hbm4b:s12+s3] =	stream.linear.scatter [tilespmem:s7], [sflag:$0x2], $0x2000, $0x38;
	[tilespmem:$0x2200] =	vst v63  }
0x5d: {  	_ =	swait.ge [sflag:s4], $0x2000  }
0x5e: {  	[sflag:s4] =	ssyncset.done $0x0  }
0x5f: {  	[sflag:s4] =	ssyncadd.s32 $0xFFFFE000  }
0x60: {  	[tilespmem:s7], [sflag:$0x1] =	stream.indirect.gather [hbm4b:s2+s6], $0x80, s13, s6, $0xb8;
	[tilespmem:$0x2200] =	vst v63  }
0x61: {  	_ =	swait.ge [sflag:s8], $0x2000  }
0x62: {  	[sflag:s8] =	ssyncset.done $0x0  }
0x63: {  	[sflag:s8] =	ssyncadd.s32 $0xFFFFE000  }
0x64: {  	[hbm4b:s14+s3] =	stream.linear.scatter [tilespmem:s7], [sflag:$0x2], $0x2000, $0x38;
	[tilespmem:$0x2200] =	vst v63  }
0x65: {  	_ =	swait.ge [sflag:s4], $0x2000  }
0x66: {  	[sflag:s4] =	ssyncset.done $0x0  }
0x67: {  	[sflag:s4] =	ssyncadd.s32 $0xFFFFE000  }
0x68: {  	[tilespmem:s7], [sflag:$0x1] =	stream.indirect.gather [hbm4b:s2+s6], $0x80, s15, s6, $0xb8;
	[tilespmem:$0x2200] =	vst v63  }
0x69: {  	_ =	swait.ge [sflag:s8], $0x2000  }
0x6a: {  	[sflag:s8] =	ssyncset.done $0x0  }
0x6b: {  	[sflag:s8] =	ssyncadd.s32 $0xFFFFE000  }
0x6c: {  	[hbm4b:s16+s3] =	stream.linear.scatter [tilespmem:s7], [sflag:$0x2], $0x2000, $0x38;
	[tilespmem:$0x2200] =	vst v63  }
0x6d: {  	_ =	swait.ge [sflag:s4], $0x2000  }
0x6e: {  	[sflag:s4] =	ssyncset.done $0x0  }
0x6f: {  	[sflag:s4] =	ssyncadd.s32 $0xFFFFE000  }
0x70: {  	[tilespmem:s7], [sflag:$0x1] =	stream.indirect.gather [hbm4b:s2+s6], $0x80, s17, s6, $0xb8;
	[tilespmem:$0x2200] =	vst v63  }
0x71: {  	_ =	swait.ge [sflag:s8], $0x2000  }
0x72: {  	[sflag:s8] =	ssyncset.done $0x0  }
0x73: {  	[sflag:s8] =	ssyncadd.s32 $0xFFFFE000  }
0x74: {  	[hbm4b:s18+s3] =	stream.linear.scatter [tilespmem:s7], [sflag:$0x2], $0x2000, $0x38;
	[tilespmem:$0x2200] =	vst v63  }
0x75: {  	_ =	swait.ge [sflag:s4], $0x2000  }
0x76: {  	[sflag:s4] =	ssyncset.done $0x0  }
0x77: {  	[sflag:s4] =	ssyncadd.s32 $0xFFFFE000  }
0x78: {  	[tilespmem:s7], [sflag:$0x1] =	stream.indirect.gather [hbm4b:s2+s6], $0x80, s19, s6, $0xb8;
	[tilespmem:$0x2200] =	vst v63  }
0x79: {  	_ =	swait.ge [sflag:s8], $0x2000  }
.Ltmp1:
0x7a: {  	[sflag:s8] =	ssyncset.done $0x0;
	(pc) =	sbr.rel @p0 .LBB2_1-.Ltmp1, $4  }
0x7b: {  	[sflag:s8] =	ssyncadd.s32 $0xFFFFE000  }
0x7c: {  	[hbm4b:s20+s3] =	stream.linear.scatter [tilespmem:s7], [sflag:$0x2], $0x2000, $0x38;
	[tilespmem:$0x2200] =	vst v63  }
0x7d: {  	_ =	swait.ge [sflag:s4], $0x2000  }
0x7e: {  	[sflag:s4] =	ssyncset.done $0x0  }
.LBB2_2:
0x7f: {  	[sflag:s4] =	ssyncadd.s32 $0xFFFFE000  }
0x80: {  	_ =	sfence.sel $0x180000  }
0x81: {  	[bflag:$0x0] =	sbarrier.arrive $0xFFFF  }
0x82: {  	p0 =	sne.s32 s0, $0x0;
	_ =	strace $0x90000047  }
0x83: {  	s0 =	sadd.s32 @!p0 $0x100000, s1;
	[bflag:$0x2] =	sbarrier.arrive $0xFFFF  }
0x84: {  	[sflag:s0] =	ssyncadd.tile.s32 @!p0 $0x1;
	_ =	shalt  }
.Lfunc_end2:
_tile_overlayer_lowered:
.L_overlay_start_2:
0x85: {  	(tag) =	ssettag $0x2  }
0x86: {  	s0 =	rddreg [dreg:$0x0];
	s2 =	stileid.u32  }
0x87: {  	s1 =	rddreg [dreg:$0x1];
	p0 =	sne.s32 s2, $0x0  }
0x88: {  	s3 =	rddreg [dreg:$0x2];
	[bflag:$0x3] =	sbarrier.arrive $0xFFFF;
	s2 =	simm.s32 @!p0 $0x1C02  }
0x89: {  	[timem:s3], [sflag:s2] =	dma.local @!p0 [hbm:s0], s1  }
0x8a: {  	s0 =	simm.s32 @!p0 $0x2  }
0x8b: {  	_ =	swait.ge @!p0 [sflag:s0], s1  }
0x8c: {  	s1 =	ssub.s32 @!p0 $0x0, s1;
	[sflag:s0] =	ssyncset.done @!p0 $0x0  }
0x8d: {  	[sflag:s0] =	ssyncadd.s32 @!p0 s1  }
0x8e: {  	[bflag:$0x3] =	sbarrier.arrive $0xFFFF  }
0x8f: {  	_ =	shalt  }

// kernel: kernel.13.cloned.1.call-start
scs
__scs_entry_jumppad:
0x0: {  	(pc) =	sbr.rel $0x88, $3  }
0x1: {  	(tag) =	ssettag $0x0;
	lr =	simm.s32 $0x1  }
0x2: {  	[smem:$0x3F9E] =	sst lr;
	_ =	strace $0xD0000000  }
0x3: {  	_ = 	snop  }
0x4: {  	_ = 	snop  }
0x5: {  	_ = 	snop  }
0x6: {  	_ = 	snop  }
0x7: {  	_ = 	snop  }
__scs_overlays_trampoline_lowered:
0x8: {  	[smem:$0x3FAD] =	sst s0  }
0x9: {  	[smem:$0x3FAE] =	sst s1  }
0xa: {  	[smem:$0x3FAF] =	sst s2  }
0xb: {  	[smem:$0x3FB0] =	sst s3  }
0xc: {  	[smem:$0x3FB1] =	sst s4  }
0xd: {  	[smem:$0x3FB2] =	sst s5  }
0xe: {  	[smem:$0x3FB3] =	sst s6  }
0xf: {  	[smem:$0x3FB4] =	sst s7  }
0x10: {  	[smem:$0x3FB5] =	sst s8  }
0x11: {  	[smem:$0x3FB6] =	sst s9;
	s0 =	simm.s32 @!p0 $0x0  }
0x12: {  	s1 =	sld [smem:$0x3F9C];
	s0 =	simm.s32 @p0 $0x1  }
0x13: {  	[smem:$0x3FB7] =	sst s0;
	s0 =	simm.s32 @!p1 $0x0  }
0x14: {  	s2 =	sld [smem:$0x3F9B];
	s0 =	simm.s32 @p1 $0x1  }
0x15: {  	[smem:$0x3FB8] =	sst s0;
	s0 =	simm.s32 @!p2 $0x0  }
0x16: {  	s3 =	sld [smem:$0x3FDB];
	s0 =	simm.s32 @p2 $0x1  }
0x17: {  	s4 =	simm.s32 $0x1BF5;
	[smem:$0x3FBA] =	sst s0  }
0x18: {  	s0 =	sld [smem:$0x3F9D];
	_ =	swait.ge [sflag:s4], $0x0  }
0x19: {  	s7 =	sld [smem:$0x3F9E]  }
0x1a: {  	s8 =	sadd.s32 $0xFFFFE003, lr  }
0x1b: {  	s9 =	sadd.s32 $0xFFFFFEF7, lr;
	s5 =	simm.s32 $0xFFFFFFFF;
	p2 =	slt.u32 s8, $0xFFFFF086  }
0x1c: {  	p1 =	slt.u32 s9, $0xF7A;
	s5 =	simm.s32 @!p2 $0x0  }
0x1d: {  	s5 =	simm.s32 @p1 $0x1;
	p0 =	seq.s32 s7, s2  }
0x1e: {  	s7 =	smul.u32 @!p0 $0xF7A, s2;
	p2 =	seq.s32 @!p0 s5, $0x0  }
0x1f: {  	s9 =	smul.u32 $0xF7A, s1;
	s8 =	simm.s32 @!p0 $0x1BF5;
	p2 =	por !p2, p0  }
0x20: {  	[sflag:s8] =	ssyncset.s32 @!p0 $0xFFFFF086;
	s6 =	sadd.s32 @!p0 s3, s7;
	s7 =	simm.s32 @!p0 $0x108  }
0x21: {  	s3 =	sadd.s32 s3, s9;
	s6 =	sadd.s32 @!p0 $0x88, s6;
	s7 =	simm.s32 @p2 $0x1082  }
0x22: {  	[simem:s7], [sflag:s8] =	dma.local @!p0 [hbm:s6], $0xF7A  }
0x23: {  	s9 =	sor.u32 $0xD0000000, s2;
	s6 =	simm.s32 $0x108;
	_ =	swait.ge @!p0 [sflag:s8], $0x0  }
0x24: {  	s3 =	sadd.s32 $0x88, s3;
	s6 =	simm.s32 @!p1 $0x1082;
	[sflag:s4] =	ssyncset.s32 $0xFFFFF086  }
0x25: {  	[simem:s6], [sflag:s4] =	dma.local [hbm:s3], $0xF7A  }
0x26: {  	[smem:$0x3F9E] =	sst s1;
	(tag) =	ssettag s2;
	_ =	strace s9  }
0x27: {  	s1 =	sld [smem:$0x3FAE]  }
0x28: {  	s2 =	sld [smem:$0x3FAF]  }
0x29: {  	s4 =	sld [smem:$0x3FB1]  }
0x2a: {  	p0 =	seq.s32 s5, $0x0;
	s5 =	sld [smem:$0x3FB2]  }
0x2b: {  	s6 =	sld [smem:$0x3FB3]  }
0x2c: {  	s7 =	sld [smem:$0x3FB4]  }
0x2d: {  	s3 =	simm.s32 $0x108;
	s8 =	sld [smem:$0x3FB5]  }
0x2e: {  	s3 =	simm.s32 @!p0 $0x1082;
	s9 =	sld [smem:$0x3FB6]  }
0x2f: {  	lr =	sadd.s32 s0, s3;
	s0 =	sld [smem:$0x3FAD]  }
0x30: {  	s3 =	sld [smem:$0x3FB0]  }
0x31: {  	[smem:$0x3FB9] =	sst s10  }
0x32: {  	s10 =	sld [smem:$0x3FB7];
	_ =	sdelay $0x3  }
0x33: {  	p0 =	seq.s32 s10, $0x1;
	s10 =	sld [smem:$0x3FB9];
	_ =	sdelay $0x3  }
0x34: {  	[smem:$0x3FB9] =	sst s10  }
0x35: {  	s10 =	sld [smem:$0x3FB8];
	_ =	sdelay $0x3  }
0x36: {  	p1 =	seq.s32 s10, $0x1;
	s10 =	sld [smem:$0x3FB9];
	_ =	sdelay $0x3  }
0x37: {  	[smem:$0x3FB9] =	sst s10  }
0x38: {  	s10 =	sld [smem:$0x3FBA]  }
0x39: {  	_ = 	snop;
	(pc) =	sbr.ind lr, $3  }
0x3a: {  	_ = 	snop  }
0x3b: {  	_ = 	snop  }
0x3c: {  	p2 =	seq.s32 s10, $0x1;
	s10 =	sld [smem:$0x3FB9]  }
0x3d: {  	_ =	shalt  }
0x3e: {  	_ =	shalt  }
0x3f: {  	_ =	shalt  }
0x40: {  	_ =	shalt  }
0x41: {  	_ =	shalt  }
0x42: {  	_ =	shalt  }
0x43: {  	_ =	shalt  }
0x44: {  	_ =	shalt  }
0x45: {  	_ =	shalt  }
0x46: {  	_ =	shalt  }
0x47: {  	_ =	shalt  }
0x48: {  	_ =	shalt  }
0x49: {  	_ =	shalt  }
0x4a: {  	_ =	shalt  }
0x4b: {  	_ =	shalt  }
0x4c: {  	_ =	shalt  }
0x4d: {  	_ =	shalt  }
0x4e: {  	_ =	shalt  }
0x4f: {  	_ =	shalt  }
0x50: {  	_ =	shalt  }
0x51: {  	_ =	shalt  }
0x52: {  	_ =	shalt  }
0x53: {  	_ =	shalt  }
0x54: {  	_ =	shalt  }
0x55: {  	_ =	shalt  }
0x56: {  	_ =	shalt  }
0x57: {  	_ =	shalt  }
0x58: {  	_ =	shalt  }
0x59: {  	_ =	shalt  }
0x5a: {  	_ =	shalt  }
0x5b: {  	_ =	shalt  }
0x5c: {  	_ =	shalt  }
0x5d: {  	_ =	shalt  }
0x5e: {  	_ =	shalt  }
0x5f: {  	_ =	shalt  }
0x60: {  	_ =	shalt  }
0x61: {  	_ =	shalt  }
0x62: {  	_ =	shalt  }
0x63: {  	_ =	shalt  }
0x64: {  	_ =	shalt  }
0x65: {  	_ =	shalt  }
0x66: {  	_ =	shalt  }
0x67: {  	_ =	shalt  }
0x68: {  	_ =	shalt  }
0x69: {  	_ =	shalt  }
0x6a: {  	_ =	shalt  }
0x6b: {  	_ =	shalt  }
0x6c: {  	_ =	shalt  }
0x6d: {  	_ =	shalt  }
0x6e: {  	_ =	shalt  }
0x6f: {  	_ =	shalt  }
0x70: {  	_ =	shalt  }
0x71: {  	_ =	shalt  }
0x72: {  	_ =	shalt  }
0x73: {  	_ =	shalt  }
0x74: {  	_ =	shalt  }
0x75: {  	_ =	shalt  }
0x76: {  	_ =	shalt  }
0x77: {  	_ =	shalt  }
0x78: {  	_ =	shalt  }
0x79: {  	_ =	shalt  }
0x7a: {  	_ =	shalt  }
0x7b: {  	_ =	shalt  }
0x7c: {  	_ =	shalt  }
0x7d: {  	_ =	shalt  }
0x7e: {  	_ =	shalt  }
0x7f: {  	_ =	shalt  }
0x80: {  	_ =	shalt  }
0x81: {  	_ =	shalt  }
0x82: {  	_ =	shalt  }
0x83: {  	_ =	shalt  }
0x84: {  	_ =	shalt  }
0x85: {  	_ =	shalt  }
0x86: {  	_ =	shalt  }
0x87: {  	_ =	shalt  }
.Lfunc_end0:
.L_simem_size_0:
called_computation.1_lowered:
.L_overlay_start_0:
0x88: {  	s2 =	sld [smem:$0x3FD9]  }
0x89: {  	s3 =	sld [smem:$0x3FFE];
	_ =	sdelay $0x1  }
0x8a: {  	s1 =	srdreg.scid  }
0x8b: {  	s0 =	sand.u32 $0x1, s1  }
0x8c: {  	s17 =	sshll.u32 s0, $0xA;
	s2 =	sadd.s32 s3, s2  }
0x8d: {  	s2 =	sadd.s32 s2, s17  }
0x8e: {  	[smem:$0x3FC5] =	sst s2  }
0x8f: {  	_ = 	snop  }
0x90: {  	s18 =	sld [smem:$0x3FC8];
	(tm) =	ssettm $0x1  }
0x91: {  	s19 =	sld [smem:$0x3FFB];
	_ =	sdelay $0x3  }
0x92: {  	_ =	strace s19  }
0x93: {  	s2 =	sld [smem:$0x3FFC];
	_ =	sdelay $0x3  }
0x94: {  	_ =	strace s2  }
0x95: {  	s2 =	sld [smem:$0x3FFD];
	_ =	sdelay $0x3  }
0x96: {  	_ =	strace s2  }
0x97: {  	_ =	strace $0x8FFFFFFF  }
0x98: {  	s20 =	sld [smem:$0x3FDB];
	_ =	sdelay $0x1  }
0x99: {  	s4 =	simm.s32 $_scs_section_size  }
0x9a: {  	s5 =	simm.s32 $_size__tile_overlayer_lowered;
	s6 =	simm.s32 $_tile_overlayer_lowered  }
0x9b: {  	s7 =	simm.s32 $0x1BFF;
	s21 =	sshll.u32 s6, $0x1;
	s4 =	sadd.s32 s4, s20  }
0x9c: {  	s22 =	simm.s32 $0x0;
	s5 =	sshll.u32 s5, $0x1;
	s6 =	sadd.s32 s21, s4  }
0x9d: {  	[timem:s22], [sflag:s7] =	dma.local [hbm:s6], s5  }
0x9e: {  	_ =	swait.ge [sflag:s7], s5  }
0x9f: {  	s5 =	ssub.s32 $0x0, s5;
	[sflag:s7] =	ssyncset.done $0x0  }
0xa0: {  	[sflag:s7] =	ssyncadd.s32 s5;
	_ =	sdelay $0x1  }
0xa1: {  	s23 =	simm.s32 $0x1B8B  }
0xa2: {  	_ =	swait.ge [sflag:s23], $0x1  }
0xa3: {  	[sflag:s23] =	ssyncset.done $0x0  }
0xa4: {  	[sflag:s23] =	ssyncadd.s32 $0xFFFFFFFF  }
0xa5: {  	s5 =	sld [smem:$0x0]  }
0xa6: {  	s6 =	sand.u32 $0xFFFFFFFE, s1  }
0xa7: {  	p0 =	sne.s32 s1, s6  }
0xa8: {  	s6 =	sshll.u32 @p0 s6, $0xE  }
0xa9: {  	s6 =	sadd.s32 @p0 $0x11B8D, s6;
	s7 =	sshll.u32 @p0 s5, $0x11  }
0xaa: {  	s6 =	sor.u32 @p0 s7, s6  }
0xab: {  	[sflag:s6] =	ssyncadd.remote.s32 @p0 $0x1;
	_ =	sdelay $0x1  }
0xac: {  	s6 =	simm.s32 @p0 $0x1B8D  }
0xad: {  	_ =	swait.eq @p0 [sflag:s6], $0x1  }
0xae: {  	[sflag:s6] =	ssyncadd.s32 @p0 $0xFFFFFFFF  }
0xaf: {  	s7 =	sshll.u32 @!p0 s1, $0xE  }
0xb0: {  	s7 =	sor.u32 @!p0 $0x4000, s7;
	s6 =	simm.s32 @!p0 $0x1B8D  }
0xb1: {  	s5 =	sshll.u32 @!p0 s5, $0x11;
	s7 =	sadd.s32 @!p0 $0x11B8D, s7;
	_ =	swait.eq @!p0 [sflag:s6], $0x1  }
0xb2: {  	s5 =	sor.u32 @!p0 s5, s7;
	[sflag:s6] =	ssyncadd.s32 @!p0 $0xFFFFFFFF  }
0xb3: {  	s25 =	simm.s32 $0x1B8E;
	s24 =	sld [smem:$0x3FFE];
	[sflag:s5] =	ssyncadd.remote.s32 @!p0 $0x1  }
0xb4: {  	s26 =	simm.s32 $execute0_lowered;
	[smem:$0x3FD2] =	sst s25  }
0xb5: {  	s6 =	sshll.u32 s26, $0x1;
	_ =	strace $0x80000049;
	[dreg:$0x1] =	wrdreg $0xFFFFFFFF  }
0xb6: {  	s28 =	simm.s32 $_size_execute0_lowered;
	s4 =	sadd.s32 s4, s6;
	[dreg:$0x0] =	wrdreg $0x0  }
0xb7: {  	s6 =	sshll.u32 s28, $0x1;
	[dreg:$0x2] =	wrdreg s4  }
0xb8: {  	[dreg:$0x3] =	wrdreg s6  }
0xb9: {  	[dreg:$0x4] =	wrdreg $0xC0  }
0xba: {  	_ =	task [dreg:s22], $0x5FFFF  }
0xbb: {  	[dreg:$0x1] =	wrdreg $0xFFFFFFFF  }
0xbc: {  	[dreg:$0x0] =	wrdreg $0x60  }
0xbd: {  	[dreg:$0x2] =	wrdreg s18  }
0xbe: {  	[dreg:$0x3] =	wrdreg s24  }
0xbf: {  	[dreg:$0x4] =	wrdreg $0xA  }
0xc0: {  	_ =	task.clear_ibuf [dreg:s22], $0x5FFFF;
	_ =	strace $0x90000049  }
0xc1: {  	s29 =	simm.s32 $0xA;
	_ =	strace $0x8000004B  }
0xc2: {  	_ =	swait.ge [sflag:s29], $0x1  }
0xc3: {  	[sflag:s29] =	ssyncadd.s32 $0xFFFFFFFF  }
0xc4: {  	_ =	strace $0x9000004B  }
0xc5: {  	_ =	sfence  }
0xc6: {  	s30 =	sld [smem:$0x0];
	_ =	sdelay $0x2  }
0xc7: {  	s31 =	sshll.u32 s1, $0xD;
	s1 =	sshrl.u32 s1, $0x2  }
0xc8: {  	s4 =	sand.u32 $0x4000, s31;
	s1 =	sadd.s32 s1, s30  }
0xc9: {  	s0 =	sor.u32 s4, s0;
	s1 =	sshll.u32 s1, $0x11  }
0xca: {  	s0 =	sor.u32 s1, s0  }
0xcb: {  	s0 =	sadd.s32 $0x8F2B, s0  }
0xcc: {  	[sflag:s0] =	ssyncadd.remote.s32 $0x1  }
0xcd: {  	_ =	sfence.sel $0xFFFF  }
0xce: {  	[dreg:$0x0] =	wrdreg $0xFFFFFFFF;
	(pc) =	sbr.abs _section_cstart, $3  }
0xcf: {  	[dreg:$0x1] =	wrdreg $0xFFFFFFFF  }
0xd0: {  	_ =	task.clear_ibuf [dreg:s22], $0x2FFFF;
	_ =	strace $0x9FFFFFFF  }
0xd1: {  	(tm) =	ssettm $0x7FFFFFFF  }
tec
execute0_lowered:
.L_overlay_start_1:
0x0: {  	(tag) =	ssettag $0x1  }
0x1: {  	s1 =	srdreg.scid;
	s0 =	stileid.u32  }
0x2: {  	s19 =	sand.u32 $0x1, s1;
	s31 =	sshll.u32 s0, $0x1  }
0x3: {  	s2 =	rddreg [dreg:$0x0];
	s10 =	sor.u32 s19, s31  }
0x4: {  	s9 =	rddreg [dreg:$0x1];
	s4 =	smul.u32 $0x38, s10  }
0x5: {  	s3 =	simm.s32 $0x0;
	s1 =	rddreg [dreg:$0x2]  }
0x6: {  	[smem:$0x7FF] =	sst s3;
	s4 =	sadd.s32 s4, s9  }
0x7: {  	_ =	strace $0x8000004A;
	s5 =	sadd.s32 $0x2200, s4;
	s4 =	simm.s32 $0x2  }
0x8: {  	[tilespmem:s3], [sflag:$0x2] =	stream.linear.gather [hbm4b:s5+s3], $0x1C0, $0x38;
	[tilespmem:$0x2200] =	vst v63  }
0x9: {  	_ =	swait.ge [sflag:s4], $0x1C0  }
0xa: {  	s6 =	simm.s32 $0x40;
	[sflag:s4] =	ssyncset.done $0x0  }
0xb: {  	s7 =	simm.s32 $0x200;
	s8 =	simm.s32 $0x1;
	[sflag:s4] =	ssyncadd.s32 $0xFFFFFE40  }
0xc: {  	[tilespmem:s7], [sflag:$0x1] =	stream.indirect.gather [hbm4b:s2+s6], $0x80, s3, s6, $0xb8;
	[tilespmem:$0x2200] =	vst v63  }
0xd: {  	s11 =	smul.u32 $0x1C00, s10;
	_ =	swait.ge [sflag:s8], $0x2000  }
0xe: {  	s12 =	sadd.s32 $0x3BA00, s9;
	[sflag:s8] =	ssyncset.done $0x0  }
0xf: {  	s9 =	sadd.s32 s12, s11;
	[sflag:s8] =	ssyncadd.s32 $0xFFFFE000  }
0x10: {  	[hbm4b:s9+s3] =	stream.linear.scatter [tilespmem:s7], [sflag:$0x2], $0x2000, $0x38;
	[tilespmem:$0x2200] =	vst v63  }
0x11: {  	_ =	swait.ge [sflag:s4], $0x2000  }
0x12: {  	[sflag:s4] =	ssyncset.done $0x0  }
0x13: {  	s10 =	smul.u32 $0xE000, s10;
	[sflag:s4] =	ssyncadd.s32 $0xFFFFE000  }
0x14: {  	[tilespmem:s7], [sflag:$0x1] =	stream.indirect.gather [hbm4b:s2+s6], $0x80, s6, s6, $0xb8;
	[tilespmem:$0x2200] =	vst v63  }
0x15: {  	s10 =	sshrl.u32 s10, $0x3;
	_ =	swait.ge [sflag:s8], $0x2000  }
0x16: {  	s20 =	sadd.s32 s12, s10;
	[sflag:s8] =	ssyncset.done $0x0  }
0x17: {  	s10 =	sadd.s32 $0x400, s20;
	[sflag:s8] =	ssyncadd.s32 $0xFFFFE000  }
0x18: {  	[hbm4b:s10+s3] =	stream.linear.scatter [tilespmem:s7], [sflag:$0x2], $0x2000, $0x38;
	[tilespmem:$0x2200] =	vst v63  }
0x19: {  	_ =	swait.ge [sflag:s4], $0x2000  }
0x1a: {  	[sflag:s4] =	ssyncset.done $0x0  }
0x1b: {  	s11 =	simm.s32 $0x80;
	[sflag:s4] =	ssyncadd.s32 $0xFFFFE000  }
0x1c: {  	[tilespmem:s7], [sflag:$0x1] =	stream.indirect.gather [hbm4b:s2+s6], $0x80, s11, s6, $0xb8;
	[tilespmem:$0x2200] =	vst v63  }
0x1d: {  	_ =	swait.ge [sflag:s8], $0x2000  }
0x1e: {  	[sflag:s8] =	ssyncset.done $0x0  }
0x1f: {  	s12 =	sadd.s32 $0x800, s20;
	[sflag:s8] =	ssyncadd.s32 $0xFFFFE000  }
0x20: {  	[hbm4b:s12+s3] =	stream.linear.scatter [tilespmem:s7], [sflag:$0x2], $0x2000, $0x38;
	[tilespmem:$0x2200] =	vst v63  }
0x21: {  	_ =	swait.ge [sflag:s4], $0x2000  }
0x22: {  	[sflag:s4] =	ssyncset.done $0x0  }
0x23: {  	s13 =	simm.s32 $0xC0;
	[sflag:s4] =	ssyncadd.s32 $0xFFFFE000  }
0x24: {  	[tilespmem:s7], [sflag:$0x1] =	stream.indirect.gather [hbm4b:s2+s6], $0x80, s13, s6, $0xb8;
	[tilespmem:$0x2200] =	vst v63  }
0x25: {  	_ =	swait.ge [sflag:s8], $0x2000  }
0x26: {  	[sflag:s8] =	ssyncset.done $0x0  }
0x27: {  	s14 =	sadd.s32 $0xC00, s20;
	[sflag:s8] =	ssyncadd.s32 $0xFFFFE000  }
0x28: {  	[hbm4b:s14+s3] =	stream.linear.scatter [tilespmem:s7], [sflag:$0x2], $0x2000, $0x38;
	[tilespmem:$0x2200] =	vst v63  }
0x29: {  	_ =	swait.ge [sflag:s4], $0x2000  }
0x2a: {  	[sflag:s4] =	ssyncset.done $0x0  }
0x2b: {  	s15 =	simm.s32 $0x100;
	[sflag:s4] =	ssyncadd.s32 $0xFFFFE000  }
0x2c: {  	[tilespmem:s7], [sflag:$0x1] =	stream.indirect.gather [hbm4b:s2+s6], $0x80, s15, s6, $0xb8;
	[tilespmem:$0x2200] =	vst v63  }
0x2d: {  	_ =	swait.ge [sflag:s8], $0x2000  }
0x2e: {  	[sflag:s8] =	ssyncset.done $0x0  }
0x2f: {  	s16 =	sadd.s32 $0x1000, s20;
	[sflag:s8] =	ssyncadd.s32 $0xFFFFE000  }
0x30: {  	[hbm4b:s16+s3] =	stream.linear.scatter [tilespmem:s7], [sflag:$0x2], $0x2000, $0x38;
	[tilespmem:$0x2200] =	vst v63  }
0x31: {  	_ =	swait.ge [sflag:s4], $0x2000  }
0x32: {  	[sflag:s4] =	ssyncset.done $0x0  }
0x33: {  	s17 =	simm.s32 $0x140;
	[sflag:s4] =	ssyncadd.s32 $0xFFFFE000  }
0x34: {  	[tilespmem:s7], [sflag:$0x1] =	stream.indirect.gather [hbm4b:s2+s6], $0x80, s17, s6, $0xb8;
	[tilespmem:$0x2200] =	vst v63  }
0x35: {  	_ =	swait.ge [sflag:s8], $0x2000  }
0x36: {  	[sflag:s8] =	ssyncset.done $0x0  }
0x37: {  	s21 =	ssub.s32 $0x2, s19;
	s18 =	sadd.s32 $0x1400, s20;
	[sflag:s8] =	ssyncadd.s32 $0xFFFFE000  }
0x38: {  	[hbm4b:s18+s3] =	stream.linear.scatter [tilespmem:s7], [sflag:$0x2], $0x2000, $0x38;
	[tilespmem:$0x2200] =	vst v63  }
0x39: {  	s22 =	sshrl.u32 s21, $0x1;
	_ =	swait.ge [sflag:s4], $0x2000  }
0x3a: {  	s21 =	ssub.s32 s21, s22;
	[sflag:s4] =	ssyncset.done $0x0  }
0x3b: {  	s19 =	simm.s32 $0x180;
	s21 =	smax.u32 s21, $0x1;
	[sflag:s4] =	ssyncadd.s32 $0xFFFFE000  }
0x3c: {  	[tilespmem:s7], [sflag:$0x1] =	stream.indirect.gather [hbm4b:s2+s6], $0x80, s19, s6, $0xb8;
	[tilespmem:$0x2200] =	vst v63  }
0x3d: {  	p0 =	sne.s32 s21, $0x1;
	_ =	swait.ge [sflag:s8], $0x2000  }
.Ltmp0:
0x3e: {  	[sflag:s8] =	ssyncset.done $0x0;
	(pc) =	sbr.rel @!p0 .LBB2_2-.Ltmp0, $4  }
0x3f: {  	s20 =	sadd.s32 $0x1800, s20;
	[sflag:s8] =	ssyncadd.s32 $0xFFFFE000  }
0x40: {  	[hbm4b:s20+s3] =	stream.linear.scatter [tilespmem:s7], [sflag:$0x2], $0x2000, $0x38;
	[tilespmem:$0x2200] =	vst v63  }
0x41: {  	_ =	swait.ge [sflag:s4], $0x2000  }
0x42: {  	s21 =	sadd.s32 $0xFFFFFFFF, s21;
	[sflag:s4] =	ssyncset.done $0x0  }
.LBB2_1:
0x43: {  	p0 =	sne.s32 s21, $0x1;
	s21 =	sadd.s32 $0xFFFFFFFF, s21;
	[sflag:s4] =	ssyncadd.s32 $0xFFFFE000  }
0x44: {  	[tilespmem:s3], [sflag:$0x2] =	stream.linear.gather [hbm4b:s5+s3], $0x1C0, $0x38;
	[tilespmem:$0x2200] =	vst v63  }
0x45: {  	_ =	swait.ge [sflag:s4], $0x1C0  }
0x46: {  	[sflag:s4] =	ssyncset.done $0x0  }
0x47: {  	[sflag:s4] =	ssyncadd.s32 $0xFFFFFE40  }
0x48: {  	[tilespmem:s7], [sflag:$0x1] =	stream.indirect.gather [hbm4b:s2+s6], $0x80, s3, s6, $0xb8;
	[tilespmem:$0x2200] =	vst v63  }
0x49: {  	_ =	swait.ge [sflag:s8], $0x2000  }
0x4a: {  	[sflag:s8] =	ssyncset.done $0x0  }
0x4b: {  	[sflag:s8] =	ssyncadd.s32 $0xFFFFE000  }
0x4c: {  	[hbm4b:s9+s3] =	stream.linear.scatter [tilespmem:s7], [sflag:$0x2], $0x2000, $0x38;
	[tilespmem:$0x2200] =	vst v63  }
0x4d: {  	_ =	swait.ge [sflag:s4], $0x2000  }
0x4e: {  	[sflag:s4] =	ssyncset.done $0x0  }
0x4f: {  	[sflag:s4] =	ssyncadd.s32 $0xFFFFE000  }
0x50: {  	[tilespmem:s7], [sflag:$0x1] =	stream.indirect.gather [hbm4b:s2+s6], $0x80, s6, s6, $0xb8;
	[tilespmem:$0x2200] =	vst v63  }
0x51: {  	_ =	swait.ge [sflag:s8], $0x2000  }
0x52: {  	[sflag:s8] =	ssyncset.done $0x0  }
0x53: {  	[sflag:s8] =	ssyncadd.s32 $0xFFFFE000  }
0x54: {  	[hbm4b:s10+s3] =	stream.linear.scatter [tilespmem:s7], [sflag:$0x2], $0x2000, $0x38;
	[tilespmem:$0x2200] =	vst v63  }
0x55: {  	_ =	swait.ge [sflag:s4], $0x2000  }
0x56: {  	[sflag:s4] =	ssyncset.done $0x0  }
0x57: {  	[sflag:s4] =	ssyncadd.s32 $0xFFFFE000  }
0x58: {  	[tilespmem:s7], [sflag:$0x1] =	stream.indirect.gather [hbm4b:s2+s6], $0x80, s11, s6, $0xb8;
	[tilespmem:$0x2200] =	vst v63  }
0x59: {  	_ =	swait.ge [sflag:s8], $0x2000  }
0x5a: {  	[sflag:s8] =	ssyncset.done $0x0  }
0x5b: {  	[sflag:s8] =	ssyncadd.s32 $0xFFFFE000  }
0x5c: {  	[hbm4b:s12+s3] =	stream.linear.scatter [tilespmem:s7], [sflag:$0x2], $0x2000, $0x38;
	[tilespmem:$0x2200] =	vst v63  }
0x5d: {  	_ =	swait.ge [sflag:s4], $0x2000  }
0x5e: {  	[sflag:s4] =	ssyncset.done $0x0  }
0x5f: {  	[sflag:s4] =	ssyncadd.s32 $0xFFFFE000  }
0x60: {  	[tilespmem:s7], [sflag:$0x1] =	stream.indirect.gather [hbm4b:s2+s6], $0x80, s13, s6, $0xb8;
	[tilespmem:$0x2200] =	vst v63  }
0x61: {  	_ =	swait.ge [sflag:s8], $0x2000  }
0x62: {  	[sflag:s8] =	ssyncset.done $0x0  }
0x63: {  	[sflag:s8] =	ssyncadd.s32 $0xFFFFE000  }
0x64: {  	[hbm4b:s14+s3] =	stream.linear.scatter [tilespmem:s7], [sflag:$0x2], $0x2000, $0x38;
	[tilespmem:$0x2200] =	vst v63  }
0x65: {  	_ =	swait.ge [sflag:s4], $0x2000  }
0x66: {  	[sflag:s4] =	ssyncset.done $0x0  }
0x67: {  	[sflag:s4] =	ssyncadd.s32 $0xFFFFE000  }
0x68: {  	[tilespmem:s7], [sflag:$0x1] =	stream.indirect.gather [hbm4b:s2+s6], $0x80, s15, s6, $0xb8;
	[tilespmem:$0x2200] =	vst v63  }
0x69: {  	_ =	swait.ge [sflag:s8], $0x2000  }
0x6a: {  	[sflag:s8] =	ssyncset.done $0x0  }
0x6b: {  	[sflag:s8] =	ssyncadd.s32 $0xFFFFE000  }
0x6c: {  	[hbm4b:s16+s3] =	stream.linear.scatter [tilespmem:s7], [sflag:$0x2], $0x2000, $0x38;
	[tilespmem:$0x2200] =	vst v63  }
0x6d: {  	_ =	swait.ge [sflag:s4], $0x2000  }
0x6e: {  	[sflag:s4] =	ssyncset.done $0x0  }
0x6f: {  	[sflag:s4] =	ssyncadd.s32 $0xFFFFE000  }
0x70: {  	[tilespmem:s7], [sflag:$0x1] =	stream.indirect.gather [hbm4b:s2+s6], $0x80, s17, s6, $0xb8;
	[tilespmem:$0x2200] =	vst v63  }
0x71: {  	_ =	swait.ge [sflag:s8], $0x2000  }
0x72: {  	[sflag:s8] =	ssyncset.done $0x0  }
0x73: {  	[sflag:s8] =	ssyncadd.s32 $0xFFFFE000  }
0x74: {  	[hbm4b:s18+s3] =	stream.linear.scatter [tilespmem:s7], [sflag:$0x2], $0x2000, $0x38;
	[tilespmem:$0x2200] =	vst v63  }
0x75: {  	_ =	swait.ge [sflag:s4], $0x2000  }
0x76: {  	[sflag:s4] =	ssyncset.done $0x0  }
0x77: {  	[sflag:s4] =	ssyncadd.s32 $0xFFFFE000  }
0x78: {  	[tilespmem:s7], [sflag:$0x1] =	stream.indirect.gather [hbm4b:s2+s6], $0x80, s19, s6, $0xb8;
	[tilespmem:$0x2200] =	vst v63  }
0x79: {  	_ =	swait.ge [sflag:s8], $0x2000  }
.Ltmp1:
0x7a: {  	[sflag:s8] =	ssyncset.done $0x0;
	(pc) =	sbr.rel @p0 .LBB2_1-.Ltmp1, $4  }
0x7b: {  	[sflag:s8] =	ssyncadd.s32 $0xFFFFE000  }
0x7c: {  	[hbm4b:s20+s3] =	stream.linear.scatter [tilespmem:s7], [sflag:$0x2], $0x2000, $0x38;
	[tilespmem:$0x2200] =	vst v63  }
0x7d: {  	_ =	swait.ge [sflag:s4], $0x2000  }
0x7e: {  	[sflag:s4] =	ssyncset.done $0x0  }
.LBB2_2:
0x7f: {  	[sflag:s4] =	ssyncadd.s32 $0xFFFFE000  }
0x80: {  	_ =	sfence.sel $0x180000  }
0x81: {  	[bflag:$0x0] =	sbarrier.arrive $0xFFFF  }
0x82: {  	p0 =	sne.s32 s0, $0x0;
	_ =	strace $0x9000004A  }
0x83: {  	s0 =	sadd.s32 @!p0 $0x100000, s1;
	[bflag:$0x2] =	sbarrier.arrive $0xFFFF  }
0x84: {  	[sflag:s0] =	ssyncadd.tile.s32 @!p0 $0x1;
	_ =	shalt  }
.Lfunc_end2:
_tile_overlayer_lowered:
.L_overlay_start_2:
0x85: {  	(tag) =	ssettag $0x2  }
0x86: {  	s0 =	rddreg [dreg:$0x0];
	s2 =	stileid.u32  }
0x87: {  	s1 =	rddreg [dreg:$0x1];
	p0 =	sne.s32 s2, $0x0  }
0x88: {  	s3 =	rddreg [dreg:$0x2];
	[bflag:$0x3] =	sbarrier.arrive $0xFFFF;
	s2 =	simm.s32 @!p0 $0x1C02  }
0x89: {  	[timem:s3], [sflag:s2] =	dma.local @!p0 [hbm:s0], s1  }
0x8a: {  	s0 =	simm.s32 @!p0 $0x2  }
0x8b: {  	_ =	swait.ge @!p0 [sflag:s0], s1  }
0x8c: {  	s1 =	ssub.s32 @!p0 $0x0, s1;
	[sflag:s0] =	ssyncset.done @!p0 $0x0  }
0x8d: {  	[sflag:s0] =	ssyncadd.s32 @!p0 s1  }
0x8e: {  	[bflag:$0x3] =	sbarrier.arrive $0xFFFF  }
0x8f: {  	_ =	shalt  }

// kernel: kernel.16.cloned.1.call-start
scs
__scs_entry_jumppad:
0x0: {  	(pc) =	sbr.rel $0x88, $3  }
0x1: {  	(tag) =	ssettag $0x0;
	lr =	simm.s32 $0x1  }
0x2: {  	[smem:$0x3F9E] =	sst lr;
	_ =	strace $0xD0000000  }
0x3: {  	_ = 	snop  }
0x4: {  	_ = 	snop  }
0x5: {  	_ = 	snop  }
0x6: {  	_ = 	snop  }
0x7: {  	_ = 	snop  }
__scs_overlays_trampoline_lowered:
0x8: {  	[smem:$0x3FAD] =	sst s0  }
0x9: {  	[smem:$0x3FAE] =	sst s1  }
0xa: {  	[smem:$0x3FAF] =	sst s2  }
0xb: {  	[smem:$0x3FB0] =	sst s3  }
0xc: {  	[smem:$0x3FB1] =	sst s4  }
0xd: {  	[smem:$0x3FB2] =	sst s5  }
0xe: {  	[smem:$0x3FB3] =	sst s6  }
0xf: {  	[smem:$0x3FB4] =	sst s7  }
0x10: {  	[smem:$0x3FB5] =	sst s8  }
0x11: {  	[smem:$0x3FB6] =	sst s9;
	s0 =	simm.s32 @!p0 $0x0  }
0x12: {  	s1 =	sld [smem:$0x3F9C];
	s0 =	simm.s32 @p0 $0x1  }
0x13: {  	[smem:$0x3FB7] =	sst s0;
	s0 =	simm.s32 @!p1 $0x0  }
0x14: {  	s2 =	sld [smem:$0x3F9B];
	s0 =	simm.s32 @p1 $0x1  }
0x15: {  	[smem:$0x3FB8] =	sst s0;
	s0 =	simm.s32 @!p2 $0x0  }
0x16: {  	s3 =	sld [smem:$0x3FDB];
	s0 =	simm.s32 @p2 $0x1  }
0x17: {  	s4 =	simm.s32 $0x1BF5;
	[smem:$0x3FBA] =	sst s0  }
0x18: {  	s0 =	sld [smem:$0x3F9D];
	_ =	swait.ge [sflag:s4], $0x0  }
0x19: {  	s7 =	sld [smem:$0x3F9E]  }
0x1a: {  	s8 =	sadd.s32 $0xFFFFE003, lr  }
0x1b: {  	s9 =	sadd.s32 $0xFFFFFEF7, lr;
	s5 =	simm.s32 $0xFFFFFFFF;
	p2 =	slt.u32 s8, $0xFFFFF086  }
0x1c: {  	p1 =	slt.u32 s9, $0xF7A;
	s5 =	simm.s32 @!p2 $0x0  }
0x1d: {  	s5 =	simm.s32 @p1 $0x1;
	p0 =	seq.s32 s7, s2  }
0x1e: {  	s7 =	smul.u32 @!p0 $0xF7A, s2;
	p2 =	seq.s32 @!p0 s5, $0x0  }
0x1f: {  	s9 =	smul.u32 $0xF7A, s1;
	s8 =	simm.s32 @!p0 $0x1BF5;
	p2 =	por !p2, p0  }
0x20: {  	[sflag:s8] =	ssyncset.s32 @!p0 $0xFFFFF086;
	s6 =	sadd.s32 @!p0 s3, s7;
	s7 =	simm.s32 @!p0 $0x108  }
0x21: {  	s3 =	sadd.s32 s3, s9;
	s6 =	sadd.s32 @!p0 $0x88, s6;
	s7 =	simm.s32 @p2 $0x1082  }
0x22: {  	[simem:s7], [sflag:s8] =	dma.local @!p0 [hbm:s6], $0xF7A  }
0x23: {  	s9 =	sor.u32 $0xD0000000, s2;
	s6 =	simm.s32 $0x108;
	_ =	swait.ge @!p0 [sflag:s8], $0x0  }
0x24: {  	s3 =	sadd.s32 $0x88, s3;
	s6 =	simm.s32 @!p1 $0x1082;
	[sflag:s4] =	ssyncset.s32 $0xFFFFF086  }
0x25: {  	[simem:s6], [sflag:s4] =	dma.local [hbm:s3], $0xF7A  }
0x26: {  	[smem:$0x3F9E] =	sst s1;
	(tag) =	ssettag s2;
	_ =	strace s9  }
0x27: {  	s1 =	sld [smem:$0x3FAE]  }
0x28: {  	s2 =	sld [smem:$0x3FAF]  }
0x29: {  	s4 =	sld [smem:$0x3FB1]  }
0x2a: {  	p0 =	seq.s32 s5, $0x0;
	s5 =	sld [smem:$0x3FB2]  }
0x2b: {  	s6 =	sld [smem:$0x3FB3]  }
0x2c: {  	s7 =	sld [smem:$0x3FB4]  }
0x2d: {  	s3 =	simm.s32 $0x108;
	s8 =	sld [smem:$0x3FB5]  }
0x2e: {  	s3 =	simm.s32 @!p0 $0x1082;
	s9 =	sld [smem:$0x3FB6]  }
0x2f: {  	lr =	sadd.s32 s0, s3;
	s0 =	sld [smem:$0x3FAD]  }
0x30: {  	s3 =	sld [smem:$0x3FB0]  }
0x31: {  	[smem:$0x3FB9] =	sst s10  }
0x32: {  	s10 =	sld [smem:$0x3FB7];
	_ =	sdelay $0x3  }
0x33: {  	p0 =	seq.s32 s10, $0x1;
	s10 =	sld [smem:$0x3FB9];
	_ =	sdelay $0x3  }
0x34: {  	[smem:$0x3FB9] =	sst s10  }
0x35: {  	s10 =	sld [smem:$0x3FB8];
	_ =	sdelay $0x3  }
0x36: {  	p1 =	seq.s32 s10, $0x1;
	s10 =	sld [smem:$0x3FB9];
	_ =	sdelay $0x3  }
0x37: {  	[smem:$0x3FB9] =	sst s10  }
0x38: {  	s10 =	sld [smem:$0x3FBA]  }
0x39: {  	_ = 	snop;
	(pc) =	sbr.ind lr, $3  }
0x3a: {  	_ = 	snop  }
0x3b: {  	_ = 	snop  }
0x3c: {  	p2 =	seq.s32 s10, $0x1;
	s10 =	sld [smem:$0x3FB9]  }
0x3d: {  	_ =	shalt  }
0x3e: {  	_ =	shalt  }
0x3f: {  	_ =	shalt  }
0x40: {  	_ =	shalt  }
0x41: {  	_ =	shalt  }
0x42: {  	_ =	shalt  }
0x43: {  	_ =	shalt  }
0x44: {  	_ =	shalt  }
0x45: {  	_ =	shalt  }
0x46: {  	_ =	shalt  }
0x47: {  	_ =	shalt  }
0x48: {  	_ =	shalt  }
0x49: {  	_ =	shalt  }
0x4a: {  	_ =	shalt  }
0x4b: {  	_ =	shalt  }
0x4c: {  	_ =	shalt  }
0x4d: {  	_ =	shalt  }
0x4e: {  	_ =	shalt  }
0x4f: {  	_ =	shalt  }
0x50: {  	_ =	shalt  }
0x51: {  	_ =	shalt  }
0x52: {  	_ =	shalt  }
0x53: {  	_ =	shalt  }
0x54: {  	_ =	shalt  }
0x55: {  	_ =	shalt  }
0x56: {  	_ =	shalt  }
0x57: {  	_ =	shalt  }
0x58: {  	_ =	shalt  }
0x59: {  	_ =	shalt  }
0x5a: {  	_ =	shalt  }
0x5b: {  	_ =	shalt  }
0x5c: {  	_ =	shalt  }
0x5d: {  	_ =	shalt  }
0x5e: {  	_ =	shalt  }
0x5f: {  	_ =	shalt  }
0x60: {  	_ =	shalt  }
0x61: {  	_ =	shalt  }
0x62: {  	_ =	shalt  }
0x63: {  	_ =	shalt  }
0x64: {  	_ =	shalt  }
0x65: {  	_ =	shalt  }
0x66: {  	_ =	shalt  }
0x67: {  	_ =	shalt  }
0x68: {  	_ =	shalt  }
0x69: {  	_ =	shalt  }
0x6a: {  	_ =	shalt  }
0x6b: {  	_ =	shalt  }
0x6c: {  	_ =	shalt  }
0x6d: {  	_ =	shalt  }
0x6e: {  	_ =	shalt  }
0x6f: {  	_ =	shalt  }
0x70: {  	_ =	shalt  }
0x71: {  	_ =	shalt  }
0x72: {  	_ =	shalt  }
0x73: {  	_ =	shalt  }
0x74: {  	_ =	shalt  }
0x75: {  	_ =	shalt  }
0x76: {  	_ =	shalt  }
0x77: {  	_ =	shalt  }
0x78: {  	_ =	shalt  }
0x79: {  	_ =	shalt  }
0x7a: {  	_ =	shalt  }
0x7b: {  	_ =	shalt  }
0x7c: {  	_ =	shalt  }
0x7d: {  	_ =	shalt  }
0x7e: {  	_ =	shalt  }
0x7f: {  	_ =	shalt  }
0x80: {  	_ =	shalt  }
0x81: {  	_ =	shalt  }
0x82: {  	_ =	shalt  }
0x83: {  	_ =	shalt  }
0x84: {  	_ =	shalt  }
0x85: {  	_ =	shalt  }
0x86: {  	_ =	shalt  }
0x87: {  	_ =	shalt  }
.Lfunc_end0:
.L_simem_size_0:
called_computation.2_lowered:
.L_overlay_start_0:
0x88: {  	s2 =	sld [smem:$0x3FD9]  }
0x89: {  	s3 =	sld [smem:$0x3FFE];
	_ =	sdelay $0x1  }
0x8a: {  	s1 =	srdreg.scid  }
0x8b: {  	s0 =	sand.u32 $0x1, s1  }
0x8c: {  	s17 =	sshll.u32 s0, $0xA;
	s2 =	sadd.s32 s3, s2  }
0x8d: {  	s2 =	sadd.s32 s2, s17  }
0x8e: {  	[smem:$0x3FC5] =	sst s2  }
0x8f: {  	_ = 	snop  }
0x90: {  	s18 =	sld [smem:$0x3FC8];
	(tm) =	ssettm $0x1  }
0x91: {  	s19 =	sld [smem:$0x3FFB];
	_ =	sdelay $0x3  }
0x92: {  	_ =	strace s19  }
0x93: {  	s2 =	sld [smem:$0x3FFC];
	_ =	sdelay $0x3  }
0x94: {  	_ =	strace s2  }
0x95: {  	s2 =	sld [smem:$0x3FFD];
	_ =	sdelay $0x3  }
0x96: {  	_ =	strace s2  }
0x97: {  	_ =	strace $0x8FFFFFFF  }
0x98: {  	s20 =	sld [smem:$0x3FDB];
	_ =	sdelay $0x1  }
0x99: {  	s4 =	simm.s32 $_scs_section_size  }
0x9a: {  	s5 =	simm.s32 $_size__tile_overlayer_lowered;
	s6 =	simm.s32 $_tile_overlayer_lowered  }
0x9b: {  	s7 =	simm.s32 $0x1BFF;
	s21 =	sshll.u32 s6, $0x1;
	s4 =	sadd.s32 s4, s20  }
0x9c: {  	s22 =	simm.s32 $0x0;
	s5 =	sshll.u32 s5, $0x1;
	s6 =	sadd.s32 s21, s4  }
0x9d: {  	[timem:s22], [sflag:s7] =	dma.local [hbm:s6], s5  }
0x9e: {  	_ =	swait.ge [sflag:s7], s5  }
0x9f: {  	s5 =	ssub.s32 $0x0, s5;
	[sflag:s7] =	ssyncset.done $0x0  }
0xa0: {  	[sflag:s7] =	ssyncadd.s32 s5;
	_ =	sdelay $0x1  }
0xa1: {  	s23 =	simm.s32 $0x1B8B  }
0xa2: {  	_ =	swait.ge [sflag:s23], $0x1  }
0xa3: {  	[sflag:s23] =	ssyncset.done $0x0  }
0xa4: {  	[sflag:s23] =	ssyncadd.s32 $0xFFFFFFFF  }
0xa5: {  	s5 =	sld [smem:$0x0]  }
0xa6: {  	s6 =	sand.u32 $0xFFFFFFFE, s1  }
0xa7: {  	p0 =	sne.s32 s1, s6  }
0xa8: {  	s6 =	sshll.u32 @p0 s6, $0xE  }
0xa9: {  	s6 =	sadd.s32 @p0 $0x11B8D, s6;
	s7 =	sshll.u32 @p0 s5, $0x11  }
0xaa: {  	s6 =	sor.u32 @p0 s7, s6  }
0xab: {  	[sflag:s6] =	ssyncadd.remote.s32 @p0 $0x1;
	_ =	sdelay $0x1  }
0xac: {  	s6 =	simm.s32 @p0 $0x1B8D  }
0xad: {  	_ =	swait.eq @p0 [sflag:s6], $0x1  }
0xae: {  	[sflag:s6] =	ssyncadd.s32 @p0 $0xFFFFFFFF  }
0xaf: {  	s7 =	sshll.u32 @!p0 s1, $0xE  }
0xb0: {  	s7 =	sor.u32 @!p0 $0x4000, s7;
	s6 =	simm.s32 @!p0 $0x1B8D  }
0xb1: {  	s5 =	sshll.u32 @!p0 s5, $0x11;
	s7 =	sadd.s32 @!p0 $0x11B8D, s7;
	_ =	swait.eq @!p0 [sflag:s6], $0x1  }
0xb2: {  	s5 =	sor.u32 @!p0 s5, s7;
	[sflag:s6] =	ssyncadd.s32 @!p0 $0xFFFFFFFF  }
0xb3: {  	s25 =	simm.s32 $0x1B8E;
	s24 =	sld [smem:$0x3FFE];
	[sflag:s5] =	ssyncadd.remote.s32 @!p0 $0x1  }
0xb4: {  	s26 =	simm.s32 $execute0_lowered;
	[smem:$0x3FD2] =	sst s25  }
0xb5: {  	s6 =	sshll.u32 s26, $0x1;
	_ =	strace $0x8000004C;
	[dreg:$0x1] =	wrdreg $0xFFFFFFFF  }
0xb6: {  	s28 =	simm.s32 $_size_execute0_lowered;
	s4 =	sadd.s32 s4, s6;
	[dreg:$0x0] =	wrdreg $0x0  }
0xb7: {  	s6 =	sshll.u32 s28, $0x1;
	[dreg:$0x2] =	wrdreg s4  }
0xb8: {  	[dreg:$0x3] =	wrdreg s6  }
0xb9: {  	[dreg:$0x4] =	wrdreg $0xC0  }
0xba: {  	_ =	task [dreg:s22], $0x5FFFF  }
0xbb: {  	[dreg:$0x1] =	wrdreg $0xFFFFFFFF  }
0xbc: {  	[dreg:$0x0] =	wrdreg $0x60  }
0xbd: {  	[dreg:$0x2] =	wrdreg s18  }
0xbe: {  	[dreg:$0x3] =	wrdreg s24  }
0xbf: {  	[dreg:$0x4] =	wrdreg $0xB  }
0xc0: {  	_ =	task.clear_ibuf [dreg:s22], $0x5FFFF;
	_ =	strace $0x9000004C  }
0xc1: {  	s29 =	simm.s32 $0xB;
	_ =	strace $0x8000004E  }
0xc2: {  	_ =	swait.ge [sflag:s29], $0x1  }
0xc3: {  	[sflag:s29] =	ssyncadd.s32 $0xFFFFFFFF  }
0xc4: {  	_ =	strace $0x9000004E  }
0xc5: {  	_ =	sfence  }
0xc6: {  	s30 =	sld [smem:$0x0];
	_ =	sdelay $0x2  }
0xc7: {  	s31 =	sshll.u32 s1, $0xD;
	s1 =	sshrl.u32 s1, $0x2  }
0xc8: {  	s4 =	sand.u32 $0x4000, s31;
	s1 =	sadd.s32 s1, s30  }
0xc9: {  	s0 =	sor.u32 s4, s0;
	s1 =	sshll.u32 s1, $0x11  }
0xca: {  	s0 =	sor.u32 s1, s0  }
0xcb: {  	s0 =	sadd.s32 $0x8F2B, s0  }
0xcc: {  	[sflag:s0] =	ssyncadd.remote.s32 $0x1  }
0xcd: {  	_ =	sfence.sel $0xFFFF  }
0xce: {  	[dreg:$0x0] =	wrdreg $0xFFFFFFFF;
	(pc) =	sbr.abs _section_cstart, $3  }
0xcf: {  	[dreg:$0x1] =	wrdreg $0xFFFFFFFF  }
0xd0: {  	_ =	task.clear_ibuf [dreg:s22], $0x2FFFF;
	_ =	strace $0x9FFFFFFF  }
0xd1: {  	(tm) =	ssettm $0x7FFFFFFF  }
tec
execute0_lowered:
.L_overlay_start_1:
0x0: {  	(tag) =	ssettag $0x1  }
0x1: {  	s1 =	srdreg.scid;
	s0 =	stileid.u32  }
0x2: {  	s19 =	sand.u32 $0x1, s1;
	s31 =	sshll.u32 s0, $0x1  }
0x3: {  	s2 =	rddreg [dreg:$0x0];
	s10 =	sor.u32 s19, s31  }
0x4: {  	s9 =	rddreg [dreg:$0x1];
	s4 =	smul.u32 $0x38, s10  }
0x5: {  	s3 =	simm.s32 $0x0;
	s1 =	rddreg [dreg:$0x2]  }
0x6: {  	[smem:$0x7FF] =	sst s3;
	s4 =	sadd.s32 s4, s9  }
0x7: {  	_ =	strace $0x8000004D;
	s5 =	sadd.s32 $0x2A00, s4;
	s4 =	simm.s32 $0x2  }
0x8: {  	[tilespmem:s3], [sflag:$0x2] =	stream.linear.gather [hbm4b:s5+s3], $0x1C0, $0x38;
	[tilespmem:$0x2200] =	vst v63  }
0x9: {  	_ =	swait.ge [sflag:s4], $0x1C0  }
0xa: {  	s6 =	simm.s32 $0x40;
	[sflag:s4] =	ssyncset.done $0x0  }
0xb: {  	s7 =	simm.s32 $0x200;
	s8 =	simm.s32 $0x1;
	[sflag:s4] =	ssyncadd.s32 $0xFFFFFE40  }
0xc: {  	[tilespmem:s7], [sflag:$0x1] =	stream.indirect.gather [hbm4b:s2+s6], $0x80, s3, s6, $0xb8;
	[tilespmem:$0x2200] =	vst v63  }
0xd: {  	s11 =	smul.u32 $0x1C00, s10;
	_ =	swait.ge [sflag:s8], $0x2000  }
0xe: {  	s12 =	sadd.s32 $0x73A00, s9;
	[sflag:s8] =	ssyncset.done $0x0  }
0xf: {  	s9 =	sadd.s32 s12, s11;
	[sflag:s8] =	ssyncadd.s32 $0xFFFFE000  }
0x10: {  	[hbm4b:s9+s3] =	stream.linear.scatter [tilespmem:s7], [sflag:$0x2], $0x2000, $0x38;
	[tilespmem:$0x2200] =	vst v63  }
0x11: {  	_ =	swait.ge [sflag:s4], $0x2000  }
0x12: {  	[sflag:s4] =	ssyncset.done $0x0  }
0x13: {  	s10 =	smul.u32 $0xE000, s10;
	[sflag:s4] =	ssyncadd.s32 $0xFFFFE000  }
0x14: {  	[tilespmem:s7], [sflag:$0x1] =	stream.indirect.gather [hbm4b:s2+s6], $0x80, s6, s6, $0xb8;
	[tilespmem:$0x2200] =	vst v63  }
0x15: {  	s10 =	sshrl.u32 s10, $0x3;
	_ =	swait.ge [sflag:s8], $0x2000  }
0x16: {  	s20 =	sadd.s32 s12, s10;
	[sflag:s8] =	ssyncset.done $0x0  }
0x17: {  	s10 =	sadd.s32 $0x400, s20;
	[sflag:s8] =	ssyncadd.s32 $0xFFFFE000  }
0x18: {  	[hbm4b:s10+s3] =	stream.linear.scatter [tilespmem:s7], [sflag:$0x2], $0x2000, $0x38;
	[tilespmem:$0x2200] =	vst v63  }
0x19: {  	_ =	swait.ge [sflag:s4], $0x2000  }
0x1a: {  	[sflag:s4] =	ssyncset.done $0x0  }
0x1b: {  	s11 =	simm.s32 $0x80;
	[sflag:s4] =	ssyncadd.s32 $0xFFFFE000  }
0x1c: {  	[tilespmem:s7], [sflag:$0x1] =	stream.indirect.gather [hbm4b:s2+s6], $0x80, s11, s6, $0xb8;
	[tilespmem:$0x2200] =	vst v63  }
0x1d: {  	_ =	swait.ge [sflag:s8], $0x2000  }
0x1e: {  	[sflag:s8] =	ssyncset.done $0x0  }
0x1f: {  	s12 =	sadd.s32 $0x800, s20;
	[sflag:s8] =	ssyncadd.s32 $0xFFFFE000  }
0x20: {  	[hbm4b:s12+s3] =	stream.linear.scatter [tilespmem:s7], [sflag:$0x2], $0x2000, $0x38;
	[tilespmem:$0x2200] =	vst v63  }
0x21: {  	_ =	swait.ge [sflag:s4], $0x2000  }
0x22: {  	[sflag:s4] =	ssyncset.done $0x0  }
0x23: {  	s13 =	simm.s32 $0xC0;
	[sflag:s4] =	ssyncadd.s32 $0xFFFFE000  }
0x24: {  	[tilespmem:s7], [sflag:$0x1] =	stream.indirect.gather [hbm4b:s2+s6], $0x80, s13, s6, $0xb8;
	[tilespmem:$0x2200] =	vst v63  }
0x25: {  	_ =	swait.ge [sflag:s8], $0x2000  }
0x26: {  	[sflag:s8] =	ssyncset.done $0x0  }
0x27: {  	s14 =	sadd.s32 $0xC00, s20;
	[sflag:s8] =	ssyncadd.s32 $0xFFFFE000  }
0x28: {  	[hbm4b:s14+s3] =	stream.linear.scatter [tilespmem:s7], [sflag:$0x2], $0x2000, $0x38;
	[tilespmem:$0x2200] =	vst v63  }
0x29: {  	_ =	swait.ge [sflag:s4], $0x2000  }
0x2a: {  	[sflag:s4] =	ssyncset.done $0x0  }
0x2b: {  	s15 =	simm.s32 $0x100;
	[sflag:s4] =	ssyncadd.s32 $0xFFFFE000  }
0x2c: {  	[tilespmem:s7], [sflag:$0x1] =	stream.indirect.gather [hbm4b:s2+s6], $0x80, s15, s6, $0xb8;
	[tilespmem:$0x2200] =	vst v63  }
0x2d: {  	_ =	swait.ge [sflag:s8], $0x2000  }
0x2e: {  	[sflag:s8] =	ssyncset.done $0x0  }
0x2f: {  	s16 =	sadd.s32 $0x1000, s20;
	[sflag:s8] =	ssyncadd.s32 $0xFFFFE000  }
0x30: {  	[hbm4b:s16+s3] =	stream.linear.scatter [tilespmem:s7], [sflag:$0x2], $0x2000, $0x38;
	[tilespmem:$0x2200] =	vst v63  }
0x31: {  	_ =	swait.ge [sflag:s4], $0x2000  }
0x32: {  	[sflag:s4] =	ssyncset.done $0x0  }
0x33: {  	s17 =	simm.s32 $0x140;
	[sflag:s4] =	ssyncadd.s32 $0xFFFFE000  }
0x34: {  	[tilespmem:s7], [sflag:$0x1] =	stream.indirect.gather [hbm4b:s2+s6], $0x80, s17, s6, $0xb8;
	[tilespmem:$0x2200] =	vst v63  }
0x35: {  	_ =	swait.ge [sflag:s8], $0x2000  }
0x36: {  	[sflag:s8] =	ssyncset.done $0x0  }
0x37: {  	s21 =	ssub.s32 $0x2, s19;
	s18 =	sadd.s32 $0x1400, s20;
	[sflag:s8] =	ssyncadd.s32 $0xFFFFE000  }
0x38: {  	[hbm4b:s18+s3] =	stream.linear.scatter [tilespmem:s7], [sflag:$0x2], $0x2000, $0x38;
	[tilespmem:$0x2200] =	vst v63  }
0x39: {  	s22 =	sshrl.u32 s21, $0x1;
	_ =	swait.ge [sflag:s4], $0x2000  }
0x3a: {  	s21 =	ssub.s32 s21, s22;
	[sflag:s4] =	ssyncset.done $0x0  }
0x3b: {  	s19 =	simm.s32 $0x180;
	s21 =	smax.u32 s21, $0x1;
	[sflag:s4] =	ssyncadd.s32 $0xFFFFE000  }
0x3c: {  	[tilespmem:s7], [sflag:$0x1] =	stream.indirect.gather [hbm4b:s2+s6], $0x80, s19, s6, $0xb8;
	[tilespmem:$0x2200] =	vst v63  }
0x3d: {  	p0 =	sne.s32 s21, $0x1;
	_ =	swait.ge [sflag:s8], $0x2000  }
.Ltmp0:
0x3e: {  	[sflag:s8] =	ssyncset.done $0x0;
	(pc) =	sbr.rel @!p0 .LBB2_2-.Ltmp0, $4  }
0x3f: {  	s20 =	sadd.s32 $0x1800, s20;
	[sflag:s8] =	ssyncadd.s32 $0xFFFFE000  }
0x40: {  	[hbm4b:s20+s3] =	stream.linear.scatter [tilespmem:s7], [sflag:$0x2], $0x2000, $0x38;
	[tilespmem:$0x2200] =	vst v63  }
0x41: {  	_ =	swait.ge [sflag:s4], $0x2000  }
0x42: {  	s21 =	sadd.s32 $0xFFFFFFFF, s21;
	[sflag:s4] =	ssyncset.done $0x0  }
.LBB2_1:
0x43: {  	p0 =	sne.s32 s21, $0x1;
	s21 =	sadd.s32 $0xFFFFFFFF, s21;
	[sflag:s4] =	ssyncadd.s32 $0xFFFFE000  }
0x44: {  	[tilespmem:s3], [sflag:$0x2] =	stream.linear.gather [hbm4b:s5+s3], $0x1C0, $0x38;
	[tilespmem:$0x2200] =	vst v63  }
0x45: {  	_ =	swait.ge [sflag:s4], $0x1C0  }
0x46: {  	[sflag:s4] =	ssyncset.done $0x0  }
0x47: {  	[sflag:s4] =	ssyncadd.s32 $0xFFFFFE40  }
0x48: {  	[tilespmem:s7], [sflag:$0x1] =	stream.indirect.gather [hbm4b:s2+s6], $0x80, s3, s6, $0xb8;
	[tilespmem:$0x2200] =	vst v63  }
0x49: {  	_ =	swait.ge [sflag:s8], $0x2000  }
0x4a: {  	[sflag:s8] =	ssyncset.done $0x0  }
0x4b: {  	[sflag:s8] =	ssyncadd.s32 $0xFFFFE000  }
0x4c: {  	[hbm4b:s9+s3] =	stream.linear.scatter [tilespmem:s7], [sflag:$0x2], $0x2000, $0x38;
	[tilespmem:$0x2200] =	vst v63  }
0x4d: {  	_ =	swait.ge [sflag:s4], $0x2000  }
0x4e: {  	[sflag:s4] =	ssyncset.done $0x0  }
0x4f: {  	[sflag:s4] =	ssyncadd.s32 $0xFFFFE000  }
0x50: {  	[tilespmem:s7], [sflag:$0x1] =	stream.indirect.gather [hbm4b:s2+s6], $0x80, s6, s6, $0xb8;
	[tilespmem:$0x2200] =	vst v63  }
0x51: {  	_ =	swait.ge [sflag:s8], $0x2000  }
0x52: {  	[sflag:s8] =	ssyncset.done $0x0  }
0x53: {  	[sflag:s8] =	ssyncadd.s32 $0xFFFFE000  }
0x54: {  	[hbm4b:s10+s3] =	stream.linear.scatter [tilespmem:s7], [sflag:$0x2], $0x2000, $0x38;
	[tilespmem:$0x2200] =	vst v63  }
0x55: {  	_ =	swait.ge [sflag:s4], $0x2000  }
0x56: {  	[sflag:s4] =	ssyncset.done $0x0  }
0x57: {  	[sflag:s4] =	ssyncadd.s32 $0xFFFFE000  }
0x58: {  	[tilespmem:s7], [sflag:$0x1] =	stream.indirect.gather [hbm4b:s2+s6], $0x80, s11, s6, $0xb8;
	[tilespmem:$0x2200] =	vst v63  }
0x59: {  	_ =	swait.ge [sflag:s8], $0x2000  }
0x5a: {  	[sflag:s8] =	ssyncset.done $0x0  }
0x5b: {  	[sflag:s8] =	ssyncadd.s32 $0xFFFFE000  }
0x5c: {  	[hbm4b:s12+s3] =	stream.linear.scatter [tilespmem:s7], [sflag:$0x2], $0x2000, $0x38;
	[tilespmem:$0x2200] =	vst v63  }
0x5d: {  	_ =	swait.ge [sflag:s4], $0x2000  }
0x5e: {  	[sflag:s4] =	ssyncset.done $0x0  }
0x5f: {  	[sflag:s4] =	ssyncadd.s32 $0xFFFFE000  }
0x60: {  	[tilespmem:s7], [sflag:$0x1] =	stream.indirect.gather [hbm4b:s2+s6], $0x80, s13, s6, $0xb8;
	[tilespmem:$0x2200] =	vst v63  }
0x61: {  	_ =	swait.ge [sflag:s8], $0x2000  }
0x62: {  	[sflag:s8] =	ssyncset.done $0x0  }
0x63: {  	[sflag:s8] =	ssyncadd.s32 $0xFFFFE000  }
0x64: {  	[hbm4b:s14+s3] =	stream.linear.scatter [tilespmem:s7], [sflag:$0x2], $0x2000, $0x38;
	[tilespmem:$0x2200] =	vst v63  }
0x65: {  	_ =	swait.ge [sflag:s4], $0x2000  }
0x66: {  	[sflag:s4] =	ssyncset.done $0x0  }
0x67: {  	[sflag:s4] =	ssyncadd.s32 $0xFFFFE000  }
0x68: {  	[tilespmem:s7], [sflag:$0x1] =	stream.indirect.gather [hbm4b:s2+s6], $0x80, s15, s6, $0xb8;
	[tilespmem:$0x2200] =	vst v63  }
0x69: {  	_ =	swait.ge [sflag:s8], $0x2000  }
0x6a: {  	[sflag:s8] =	ssyncset.done $0x0  }
0x6b: {  	[sflag:s8] =	ssyncadd.s32 $0xFFFFE000  }
0x6c: {  	[hbm4b:s16+s3] =	stream.linear.scatter [tilespmem:s7], [sflag:$0x2], $0x2000, $0x38;
	[tilespmem:$0x2200] =	vst v63  }
0x6d: {  	_ =	swait.ge [sflag:s4], $0x2000  }
0x6e: {  	[sflag:s4] =	ssyncset.done $0x0  }
0x6f: {  	[sflag:s4] =	ssyncadd.s32 $0xFFFFE000  }
0x70: {  	[tilespmem:s7], [sflag:$0x1] =	stream.indirect.gather [hbm4b:s2+s6], $0x80, s17, s6, $0xb8;
	[tilespmem:$0x2200] =	vst v63  }
0x71: {  	_ =	swait.ge [sflag:s8], $0x2000  }
0x72: {  	[sflag:s8] =	ssyncset.done $0x0  }
0x73: {  	[sflag:s8] =	ssyncadd.s32 $0xFFFFE000  }
0x74: {  	[hbm4b:s18+s3] =	stream.linear.scatter [tilespmem:s7], [sflag:$0x2], $0x2000, $0x38;
	[tilespmem:$0x2200] =	vst v63  }
0x75: {  	_ =	swait.ge [sflag:s4], $0x2000  }
0x76: {  	[sflag:s4] =	ssyncset.done $0x0  }
0x77: {  	[sflag:s4] =	ssyncadd.s32 $0xFFFFE000  }
0x78: {  	[tilespmem:s7], [sflag:$0x1] =	stream.indirect.gather [hbm4b:s2+s6], $0x80, s19, s6, $0xb8;
	[tilespmem:$0x2200] =	vst v63  }
0x79: {  	_ =	swait.ge [sflag:s8], $0x2000  }
.Ltmp1:
0x7a: {  	[sflag:s8] =	ssyncset.done $0x0;
	(pc) =	sbr.rel @p0 .LBB2_1-.Ltmp1, $4  }
0x7b: {  	[sflag:s8] =	ssyncadd.s32 $0xFFFFE000  }
0x7c: {  	[hbm4b:s20+s3] =	stream.linear.scatter [tilespmem:s7], [sflag:$0x2], $0x2000, $0x38;
	[tilespmem:$0x2200] =	vst v63  }
0x7d: {  	_ =	swait.ge [sflag:s4], $0x2000  }
0x7e: {  	[sflag:s4] =	ssyncset.done $0x0  }
.LBB2_2:
0x7f: {  	[sflag:s4] =	ssyncadd.s32 $0xFFFFE000  }
0x80: {  	_ =	sfence.sel $0x180000  }
0x81: {  	[bflag:$0x0] =	sbarrier.arrive $0xFFFF  }
0x82: {  	p0 =	sne.s32 s0, $0x0;
	_ =	strace $0x9000004D  }
0x83: {  	s0 =	sadd.s32 @!p0 $0x100000, s1;
	[bflag:$0x2] =	sbarrier.arrive $0xFFFF  }
0x84: {  	[sflag:s0] =	ssyncadd.tile.s32 @!p0 $0x1;
	_ =	shalt  }
.Lfunc_end2:
_tile_overlayer_lowered:
.L_overlay_start_2:
0x85: {  	(tag) =	ssettag $0x2  }
0x86: {  	s0 =	rddreg [dreg:$0x0];
	s2 =	stileid.u32  }
0x87: {  	s1 =	rddreg [dreg:$0x1];
	p0 =	sne.s32 s2, $0x0  }
0x88: {  	s3 =	rddreg [dreg:$0x2];
	[bflag:$0x3] =	sbarrier.arrive $0xFFFF;
	s2 =	simm.s32 @!p0 $0x1C02  }
0x89: {  	[timem:s3], [sflag:s2] =	dma.local @!p0 [hbm:s0], s1  }
0x8a: {  	s0 =	simm.s32 @!p0 $0x2  }
0x8b: {  	_ =	swait.ge @!p0 [sflag:s0], s1  }
0x8c: {  	s1 =	ssub.s32 @!p0 $0x0, s1;
	[sflag:s0] =	ssyncset.done @!p0 $0x0  }
0x8d: {  	[sflag:s0] =	ssyncadd.s32 @!p0 s1  }
0x8e: {  	[bflag:$0x3] =	sbarrier.arrive $0xFFFF  }
0x8f: {  	_ =	shalt  }

// kernel: kernel.19.cloned.1.call-start
scs
__scs_entry_jumppad:
0x0: {  	(pc) =	sbr.rel $0x88, $3  }
0x1: {  	(tag) =	ssettag $0x0;
	lr =	simm.s32 $0x1  }
0x2: {  	[smem:$0x3F9E] =	sst lr;
	_ =	strace $0xD0000000  }
0x3: {  	_ = 	snop  }
0x4: {  	_ = 	snop  }
0x5: {  	_ = 	snop  }
0x6: {  	_ = 	snop  }
0x7: {  	_ = 	snop  }
__scs_overlays_trampoline_lowered:
0x8: {  	[smem:$0x3FAD] =	sst s0  }
0x9: {  	[smem:$0x3FAE] =	sst s1  }
0xa: {  	[smem:$0x3FAF] =	sst s2  }
0xb: {  	[smem:$0x3FB0] =	sst s3  }
0xc: {  	[smem:$0x3FB1] =	sst s4  }
0xd: {  	[smem:$0x3FB2] =	sst s5  }
0xe: {  	[smem:$0x3FB3] =	sst s6  }
0xf: {  	[smem:$0x3FB4] =	sst s7  }
0x10: {  	[smem:$0x3FB5] =	sst s8  }
0x11: {  	[smem:$0x3FB6] =	sst s9;
	s0 =	simm.s32 @!p0 $0x0  }
0x12: {  	s1 =	sld [smem:$0x3F9C];
	s0 =	simm.s32 @p0 $0x1  }
0x13: {  	[smem:$0x3FB7] =	sst s0;
	s0 =	simm.s32 @!p1 $0x0  }
0x14: {  	s2 =	sld [smem:$0x3F9B];
	s0 =	simm.s32 @p1 $0x1  }
0x15: {  	[smem:$0x3FB8] =	sst s0;
	s0 =	simm.s32 @!p2 $0x0  }
0x16: {  	s3 =	sld [smem:$0x3FDB];
	s0 =	simm.s32 @p2 $0x1  }
0x17: {  	s4 =	simm.s32 $0x1BF5;
	[smem:$0x3FBA] =	sst s0  }
0x18: {  	s0 =	sld [smem:$0x3F9D];
	_ =	swait.ge [sflag:s4], $0x0  }
0x19: {  	s7 =	sld [smem:$0x3F9E]  }
0x1a: {  	s8 =	sadd.s32 $0xFFFFE003, lr  }
0x1b: {  	s9 =	sadd.s32 $0xFFFFFEF7, lr;
	s5 =	simm.s32 $0xFFFFFFFF;
	p2 =	slt.u32 s8, $0xFFFFF086  }
0x1c: {  	p1 =	slt.u32 s9, $0xF7A;
	s5 =	simm.s32 @!p2 $0x0  }
0x1d: {  	s5 =	simm.s32 @p1 $0x1;
	p0 =	seq.s32 s7, s2  }
0x1e: {  	s7 =	smul.u32 @!p0 $0xF7A, s2;
	p2 =	seq.s32 @!p0 s5, $0x0  }
0x1f: {  	s9 =	smul.u32 $0xF7A, s1;
	s8 =	simm.s32 @!p0 $0x1BF5;
	p2 =	por !p2, p0  }
0x20: {  	[sflag:s8] =	ssyncset.s32 @!p0 $0xFFFFF086;
	s6 =	sadd.s32 @!p0 s3, s7;
	s7 =	simm.s32 @!p0 $0x108  }
0x21: {  	s3 =	sadd.s32 s3, s9;
	s6 =	sadd.s32 @!p0 $0x88, s6;
	s7 =	simm.s32 @p2 $0x1082  }
0x22: {  	[simem:s7], [sflag:s8] =	dma.local @!p0 [hbm:s6], $0xF7A  }
0x23: {  	s9 =	sor.u32 $0xD0000000, s2;
	s6 =	simm.s32 $0x108;
	_ =	swait.ge @!p0 [sflag:s8], $0x0  }
0x24: {  	s3 =	sadd.s32 $0x88, s3;
	s6 =	simm.s32 @!p1 $0x1082;
	[sflag:s4] =	ssyncset.s32 $0xFFFFF086  }
0x25: {  	[simem:s6], [sflag:s4] =	dma.local [hbm:s3], $0xF7A  }
0x26: {  	[smem:$0x3F9E] =	sst s1;
	(tag) =	ssettag s2;
	_ =	strace s9  }
0x27: {  	s1 =	sld [smem:$0x3FAE]  }
0x28: {  	s2 =	sld [smem:$0x3FAF]  }
0x29: {  	s4 =	sld [smem:$0x3FB1]  }
0x2a: {  	p0 =	seq.s32 s5, $0x0;
	s5 =	sld [smem:$0x3FB2]  }
0x2b: {  	s6 =	sld [smem:$0x3FB3]  }
0x2c: {  	s7 =	sld [smem:$0x3FB4]  }
0x2d: {  	s3 =	simm.s32 $0x108;
	s8 =	sld [smem:$0x3FB5]  }
0x2e: {  	s3 =	simm.s32 @!p0 $0x1082;
	s9 =	sld [smem:$0x3FB6]  }
0x2f: {  	lr =	sadd.s32 s0, s3;
	s0 =	sld [smem:$0x3FAD]  }
0x30: {  	s3 =	sld [smem:$0x3FB0]  }
0x31: {  	[smem:$0x3FB9] =	sst s10  }
0x32: {  	s10 =	sld [smem:$0x3FB7];
	_ =	sdelay $0x3  }
0x33: {  	p0 =	seq.s32 s10, $0x1;
	s10 =	sld [smem:$0x3FB9];
	_ =	sdelay $0x3  }
0x34: {  	[smem:$0x3FB9] =	sst s10  }
0x35: {  	s10 =	sld [smem:$0x3FB8];
	_ =	sdelay $0x3  }
0x36: {  	p1 =	seq.s32 s10, $0x1;
	s10 =	sld [smem:$0x3FB9];
	_ =	sdelay $0x3  }
0x37: {  	[smem:$0x3FB9] =	sst s10  }
0x38: {  	s10 =	sld [smem:$0x3FBA]  }
0x39: {  	_ = 	snop;
	(pc) =	sbr.ind lr, $3  }
0x3a: {  	_ = 	snop  }
0x3b: {  	_ = 	snop  }
0x3c: {  	p2 =	seq.s32 s10, $0x1;
	s10 =	sld [smem:$0x3FB9]  }
0x3d: {  	_ =	shalt  }
0x3e: {  	_ =	shalt  }
0x3f: {  	_ =	shalt  }
0x40: {  	_ =	shalt  }
0x41: {  	_ =	shalt  }
0x42: {  	_ =	shalt  }
0x43: {  	_ =	shalt  }
0x44: {  	_ =	shalt  }
0x45: {  	_ =	shalt  }
0x46: {  	_ =	shalt  }
0x47: {  	_ =	shalt  }
0x48: {  	_ =	shalt  }
0x49: {  	_ =	shalt  }
0x4a: {  	_ =	shalt  }
0x4b: {  	_ =	shalt  }
0x4c: {  	_ =	shalt  }
0x4d: {  	_ =	shalt  }
0x4e: {  	_ =	shalt  }
0x4f: {  	_ =	shalt  }
0x50: {  	_ =	shalt  }
0x51: {  	_ =	shalt  }
0x52: {  	_ =	shalt  }
0x53: {  	_ =	shalt  }
0x54: {  	_ =	shalt  }
0x55: {  	_ =	shalt  }
0x56: {  	_ =	shalt  }
0x57: {  	_ =	shalt  }
0x58: {  	_ =	shalt  }
0x59: {  	_ =	shalt  }
0x5a: {  	_ =	shalt  }
0x5b: {  	_ =	shalt  }
0x5c: {  	_ =	shalt  }
0x5d: {  	_ =	shalt  }
0x5e: {  	_ =	shalt  }
0x5f: {  	_ =	shalt  }
0x60: {  	_ =	shalt  }
0x61: {  	_ =	shalt  }
0x62: {  	_ =	shalt  }
0x63: {  	_ =	shalt  }
0x64: {  	_ =	shalt  }
0x65: {  	_ =	shalt  }
0x66: {  	_ =	shalt  }
0x67: {  	_ =	shalt  }
0x68: {  	_ =	shalt  }
0x69: {  	_ =	shalt  }
0x6a: {  	_ =	shalt  }
0x6b: {  	_ =	shalt  }
0x6c: {  	_ =	shalt  }
0x6d: {  	_ =	shalt  }
0x6e: {  	_ =	shalt  }
0x6f: {  	_ =	shalt  }
0x70: {  	_ =	shalt  }
0x71: {  	_ =	shalt  }
0x72: {  	_ =	shalt  }
0x73: {  	_ =	shalt  }
0x74: {  	_ =	shalt  }
0x75: {  	_ =	shalt  }
0x76: {  	_ =	shalt  }
0x77: {  	_ =	shalt  }
0x78: {  	_ =	shalt  }
0x79: {  	_ =	shalt  }
0x7a: {  	_ =	shalt  }
0x7b: {  	_ =	shalt  }
0x7c: {  	_ =	shalt  }
0x7d: {  	_ =	shalt  }
0x7e: {  	_ =	shalt  }
0x7f: {  	_ =	shalt  }
0x80: {  	_ =	shalt  }
0x81: {  	_ =	shalt  }
0x82: {  	_ =	shalt  }
0x83: {  	_ =	shalt  }
0x84: {  	_ =	shalt  }
0x85: {  	_ =	shalt  }
0x86: {  	_ =	shalt  }
0x87: {  	_ =	shalt  }
.Lfunc_end0:
.L_simem_size_0:
called_computation.3_lowered:
.L_overlay_start_0:
0x88: {  	s2 =	sld [smem:$0x3FD9]  }
0x89: {  	s3 =	sld [smem:$0x3FFE];
	_ =	sdelay $0x1  }
0x8a: {  	s1 =	srdreg.scid  }
0x8b: {  	s0 =	sand.u32 $0x1, s1  }
0x8c: {  	s17 =	sshll.u32 s0, $0xA;
	s2 =	sadd.s32 s3, s2  }
0x8d: {  	s2 =	sadd.s32 s2, s17  }
0x8e: {  	[smem:$0x3FC5] =	sst s2  }
0x8f: {  	_ = 	snop  }
0x90: {  	s4 =	sld [smem:$0x3FC8]  }
0x91: {  	s18 =	sld [smem:$0x3FD0];
	(tm) =	ssettm $0x1  }
0x92: {  	s19 =	sld [smem:$0x3FFB];
	_ =	sdelay $0x3  }
0x93: {  	_ =	strace s19  }
0x94: {  	s2 =	sld [smem:$0x3FFC];
	_ =	sdelay $0x3  }
0x95: {  	_ =	strace s2  }
0x96: {  	s2 =	sld [smem:$0x3FFD];
	_ =	sdelay $0x3  }
0x97: {  	_ =	strace s2  }
0x98: {  	_ =	strace $0x8FFFFFFF  }
0x99: {  	s20 =	sld [smem:$0x3FDB];
	_ =	sdelay $0x1  }
0x9a: {  	s5 =	simm.s32 $_scs_section_size  }
0x9b: {  	s6 =	simm.s32 $_size__tile_overlayer_lowered;
	s7 =	simm.s32 $_tile_overlayer_lowered  }
0x9c: {  	s8 =	simm.s32 $0x1BFF;
	s21 =	sshll.u32 s7, $0x1;
	s5 =	sadd.s32 s5, s20  }
0x9d: {  	s22 =	simm.s32 $0x0;
	s6 =	sshll.u32 s6, $0x1;
	s7 =	sadd.s32 s21, s5  }
0x9e: {  	[timem:s22], [sflag:s8] =	dma.local [hbm:s7], s6  }
0x9f: {  	_ =	swait.ge [sflag:s8], s6  }
0xa0: {  	s6 =	ssub.s32 $0x0, s6;
	[sflag:s8] =	ssyncset.done $0x0  }
0xa1: {  	[sflag:s8] =	ssyncadd.s32 s6;
	_ =	sdelay $0x1  }
0xa2: {  	s23 =	simm.s32 $0x1B8B  }
0xa3: {  	_ =	swait.ge [sflag:s23], $0x1  }
0xa4: {  	[sflag:s23] =	ssyncset.done $0x0  }
0xa5: {  	[sflag:s23] =	ssyncadd.s32 $0xFFFFFFFF  }
0xa6: {  	s6 =	sld [smem:$0x0]  }
0xa7: {  	s7 =	sand.u32 $0xFFFFFFFE, s1  }
0xa8: {  	p0 =	sne.s32 s1, s7  }
0xa9: {  	s7 =	sshll.u32 @p0 s7, $0xE  }
0xaa: {  	s7 =	sadd.s32 @p0 $0x11B8D, s7;
	s8 =	sshll.u32 @p0 s6, $0x11  }
0xab: {  	s7 =	sor.u32 @p0 s8, s7  }
0xac: {  	[sflag:s7] =	ssyncadd.remote.s32 @p0 $0x1;
	_ =	sdelay $0x1  }
0xad: {  	s7 =	simm.s32 @p0 $0x1B8D  }
0xae: {  	_ =	swait.eq @p0 [sflag:s7], $0x1  }
0xaf: {  	[sflag:s7] =	ssyncadd.s32 @p0 $0xFFFFFFFF  }
0xb0: {  	s8 =	sshll.u32 @!p0 s1, $0xE  }
0xb1: {  	s8 =	sor.u32 @!p0 $0x4000, s8;
	s7 =	simm.s32 @!p0 $0x1B8D  }
0xb2: {  	s6 =	sshll.u32 @!p0 s6, $0x11;
	s8 =	sadd.s32 @!p0 $0x11B8D, s8;
	_ =	swait.eq @!p0 [sflag:s7], $0x1  }
0xb3: {  	s6 =	sor.u32 @!p0 s6, s8;
	[sflag:s7] =	ssyncadd.s32 @!p0 $0xFFFFFFFF  }
0xb4: {  	s25 =	simm.s32 $0x1B8E;
	s24 =	sld [smem:$0x3FFE];
	[sflag:s6] =	ssyncadd.remote.s32 @!p0 $0x1  }
0xb5: {  	s26 =	simm.s32 $execute0_lowered;
	[smem:$0x3FD2] =	sst s25  }
0xb6: {  	s7 =	sshll.u32 s26, $0x1;
	_ =	strace $0x8000004F;
	[dreg:$0x1] =	wrdreg $0xFFFFFFFF  }
0xb7: {  	s28 =	simm.s32 $_size_execute0_lowered;
	s5 =	sadd.s32 s5, s7;
	[dreg:$0x0] =	wrdreg $0x0  }
0xb8: {  	s7 =	sshll.u32 s28, $0x1;
	[dreg:$0x2] =	wrdreg s5  }
0xb9: {  	[dreg:$0x3] =	wrdreg s7  }
0xba: {  	[dreg:$0x4] =	wrdreg $0xC0  }
0xbb: {  	_ =	task [dreg:s22], $0x5FFFF  }
0xbc: {  	[dreg:$0x1] =	wrdreg $0xFFFFFFFF  }
0xbd: {  	[dreg:$0x0] =	wrdreg $0x60  }
0xbe: {  	[dreg:$0x2] =	wrdreg s4  }
0xbf: {  	[dreg:$0x3] =	wrdreg s24  }
0xc0: {  	[dreg:$0x4] =	wrdreg s18  }
0xc1: {  	[dreg:$0x5] =	wrdreg $0xC  }
0xc2: {  	_ =	task.clear_ibuf [dreg:s22], $0x6FFFF;
	_ =	strace $0x9000004F  }
0xc3: {  	s29 =	simm.s32 $0xC;
	_ =	strace $0x80000051  }
0xc4: {  	_ =	swait.ge [sflag:s29], $0x1  }
0xc5: {  	[sflag:s29] =	ssyncadd.s32 $0xFFFFFFFF  }
0xc6: {  	_ =	strace $0x90000051  }
0xc7: {  	_ =	sfence  }
0xc8: {  	s30 =	sld [smem:$0x0];
	_ =	sdelay $0x2  }
0xc9: {  	s31 =	sshll.u32 s1, $0xD;
	s1 =	sshrl.u32 s1, $0x2  }
0xca: {  	s4 =	sand.u32 $0x4000, s31;
	s1 =	sadd.s32 s1, s30  }
0xcb: {  	s0 =	sor.u32 s4, s0;
	s1 =	sshll.u32 s1, $0x11  }
0xcc: {  	s0 =	sor.u32 s1, s0  }
0xcd: {  	s0 =	sadd.s32 $0x8F2B, s0  }
0xce: {  	[sflag:s0] =	ssyncadd.remote.s32 $0x1  }
0xcf: {  	_ =	sfence.sel $0xFFFF  }
0xd0: {  	[dreg:$0x0] =	wrdreg $0xFFFFFFFF;
	(pc) =	sbr.abs _section_cstart, $3  }
0xd1: {  	[dreg:$0x1] =	wrdreg $0xFFFFFFFF  }
0xd2: {  	_ =	task.clear_ibuf [dreg:s22], $0x2FFFF;
	_ =	strace $0x9FFFFFFF  }
0xd3: {  	(tm) =	ssettm $0x7FFFFFFF  }
tec
execute0_lowered:
.L_overlay_start_1:
0x0: {  	(tag) =	ssettag $0x1  }
0x1: {  	s1 =	srdreg.scid;
	s0 =	stileid.u32  }
0x2: {  	s2 =	rddreg [dreg:$0x0];
	s19 =	sand.u32 $0x1, s1;
	s31 =	sshll.u32 s0, $0x1  }
0x3: {  	s4 =	rddreg [dreg:$0x1];
	s10 =	sor.u32 s19, s31  }
0x4: {  	s11 =	rddreg [dreg:$0x2];
	s5 =	smul.u32 $0x38, s10  }
0x5: {  	s3 =	simm.s32 $0x0;
	s1 =	rddreg [dreg:$0x3]  }
0x6: {  	[smem:$0x7FF] =	sst s3;
	s4 =	sadd.s32 s5, s4  }
0x7: {  	_ =	strace $0x80000050;
	s5 =	sadd.s32 $0xABA00, s4;
	s4 =	simm.s32 $0x2  }
0x8: {  	[tilespmem:s3], [sflag:$0x2] =	stream.linear.gather [hbm4b:s5+s3], $0x1C0, $0x38;
	[tilespmem:$0x2200] =	vst v63  }
0x9: {  	_ =	swait.ge [sflag:s4], $0x1C0  }
0xa: {  	s6 =	simm.s32 $0x40;
	[sflag:s4] =	ssyncset.done $0x0  }
0xb: {  	s7 =	simm.s32 $0x200;
	s8 =	simm.s32 $0x1;
	[sflag:s4] =	ssyncadd.s32 $0xFFFFFE40  }
0xc: {  	[tilespmem:s7], [sflag:$0x1] =	stream.indirect.gather [hbm4b:s2+s6], $0x80, s3, s6, $0xb8;
	[tilespmem:$0x2200] =	vst v63  }
0xd: {  	s9 =	smul.u32 $0x1C00, s10;
	_ =	swait.ge [sflag:s8], $0x2000  }
0xe: {  	[sflag:s8] =	ssyncset.done $0x0  }
0xf: {  	s9 =	sadd.s32 s11, s9;
	[sflag:s8] =	ssyncadd.s32 $0xFFFFE000  }
0x10: {  	[hbm4b:s9+s3] =	stream.linear.scatter [tilespmem:s7], [sflag:$0x2], $0x2000, $0x38;
	[tilespmem:$0x2200] =	vst v63  }
0x11: {  	_ =	swait.ge [sflag:s4], $0x2000  }
0x12: {  	[sflag:s4] =	ssyncset.done $0x0  }
0x13: {  	s10 =	smul.u32 $0xE000, s10;
	[sflag:s4] =	ssyncadd.s32 $0xFFFFE000  }
0x14: {  	[tilespmem:s7], [sflag:$0x1] =	stream.indirect.gather [hbm4b:s2+s6], $0x80, s6, s6, $0xb8;
	[tilespmem:$0x2200] =	vst v63  }
0x15: {  	s10 =	sshrl.u32 s10, $0x3;
	_ =	swait.ge [sflag:s8], $0x2000  }
0x16: {  	s20 =	sadd.s32 s11, s10;
	[sflag:s8] =	ssyncset.done $0x0  }
0x17: {  	s10 =	sadd.s32 $0x400, s20;
	[sflag:s8] =	ssyncadd.s32 $0xFFFFE000  }
0x18: {  	[hbm4b:s10+s3] =	stream.linear.scatter [tilespmem:s7], [sflag:$0x2], $0x2000, $0x38;
	[tilespmem:$0x2200] =	vst v63  }
0x19: {  	_ =	swait.ge [sflag:s4], $0x2000  }
0x1a: {  	[sflag:s4] =	ssyncset.done $0x0  }
0x1b: {  	s11 =	simm.s32 $0x80;
	[sflag:s4] =	ssyncadd.s32 $0xFFFFE000  }
0x1c: {  	[tilespmem:s7], [sflag:$0x1] =	stream.indirect.gather [hbm4b:s2+s6], $0x80, s11, s6, $0xb8;
	[tilespmem:$0x2200] =	vst v63  }
0x1d: {  	_ =	swait.ge [sflag:s8], $0x2000  }
0x1e: {  	[sflag:s8] =	ssyncset.done $0x0  }
0x1f: {  	s12 =	sadd.s32 $0x800, s20;
	[sflag:s8] =	ssyncadd.s32 $0xFFFFE000  }
0x20: {  	[hbm4b:s12+s3] =	stream.linear.scatter [tilespmem:s7], [sflag:$0x2], $0x2000, $0x38;
	[tilespmem:$0x2200] =	vst v63  }
0x21: {  	_ =	swait.ge [sflag:s4], $0x2000  }
0x22: {  	[sflag:s4] =	ssyncset.done $0x0  }
0x23: {  	s13 =	simm.s32 $0xC0;
	[sflag:s4] =	ssyncadd.s32 $0xFFFFE000  }
0x24: {  	[tilespmem:s7], [sflag:$0x1] =	stream.indirect.gather [hbm4b:s2+s6], $0x80, s13, s6, $0xb8;
	[tilespmem:$0x2200] =	vst v63  }
0x25: {  	_ =	swait.ge [sflag:s8], $0x2000  }
0x26: {  	[sflag:s8] =	ssyncset.done $0x0  }
0x27: {  	s14 =	sadd.s32 $0xC00, s20;
	[sflag:s8] =	ssyncadd.s32 $0xFFFFE000  }
0x28: {  	[hbm4b:s14+s3] =	stream.linear.scatter [tilespmem:s7], [sflag:$0x2], $0x2000, $0x38;
	[tilespmem:$0x2200] =	vst v63  }
0x29: {  	_ =	swait.ge [sflag:s4], $0x2000  }
0x2a: {  	[sflag:s4] =	ssyncset.done $0x0  }
0x2b: {  	s15 =	simm.s32 $0x100;
	[sflag:s4] =	ssyncadd.s32 $0xFFFFE000  }
0x2c: {  	[tilespmem:s7], [sflag:$0x1] =	stream.indirect.gather [hbm4b:s2+s6], $0x80, s15, s6, $0xb8;
	[tilespmem:$0x2200] =	vst v63  }
0x2d: {  	_ =	swait.ge [sflag:s8], $0x2000  }
0x2e: {  	[sflag:s8] =	ssyncset.done $0x0  }
0x2f: {  	s16 =	sadd.s32 $0x1000, s20;
	[sflag:s8] =	ssyncadd.s32 $0xFFFFE000  }
0x30: {  	[hbm4b:s16+s3] =	stream.linear.scatter [tilespmem:s7], [sflag:$0x2], $0x2000, $0x38;
	[tilespmem:$0x2200] =	vst v63  }
0x31: {  	_ =	swait.ge [sflag:s4], $0x2000  }
0x32: {  	[sflag:s4] =	ssyncset.done $0x0  }
0x33: {  	s17 =	simm.s32 $0x140;
	[sflag:s4] =	ssyncadd.s32 $0xFFFFE000  }
0x34: {  	[tilespmem:s7], [sflag:$0x1] =	stream.indirect.gather [hbm4b:s2+s6], $0x80, s17, s6, $0xb8;
	[tilespmem:$0x2200] =	vst v63  }
0x35: {  	_ =	swait.ge [sflag:s8], $0x2000  }
0x36: {  	[sflag:s8] =	ssyncset.done $0x0  }
0x37: {  	s21 =	ssub.s32 $0x2, s19;
	s18 =	sadd.s32 $0x1400, s20;
	[sflag:s8] =	ssyncadd.s32 $0xFFFFE000  }
0x38: {  	[hbm4b:s18+s3] =	stream.linear.scatter [tilespmem:s7], [sflag:$0x2], $0x2000, $0x38;
	[tilespmem:$0x2200] =	vst v63  }
0x39: {  	s22 =	sshrl.u32 s21, $0x1;
	_ =	swait.ge [sflag:s4], $0x2000  }
0x3a: {  	s21 =	ssub.s32 s21, s22;
	[sflag:s4] =	ssyncset.done $0x0  }
0x3b: {  	s19 =	simm.s32 $0x180;
	s21 =	smax.u32 s21, $0x1;
	[sflag:s4] =	ssyncadd.s32 $0xFFFFE000  }
0x3c: {  	[tilespmem:s7], [sflag:$0x1] =	stream.indirect.gather [hbm4b:s2+s6], $0x80, s19, s6, $0xb8;
	[tilespmem:$0x2200] =	vst v63  }
0x3d: {  	p0 =	sne.s32 s21, $0x1;
	_ =	swait.ge [sflag:s8], $0x2000  }
.Ltmp0:
0x3e: {  	[sflag:s8] =	ssyncset.done $0x0;
	(pc) =	sbr.rel @!p0 .LBB2_2-.Ltmp0, $4  }
0x3f: {  	s20 =	sadd.s32 $0x1800, s20;
	[sflag:s8] =	ssyncadd.s32 $0xFFFFE000  }
0x40: {  	[hbm4b:s20+s3] =	stream.linear.scatter [tilespmem:s7], [sflag:$0x2], $0x2000, $0x38;
	[tilespmem:$0x2200] =	vst v63  }
0x41: {  	_ =	swait.ge [sflag:s4], $0x2000  }
0x42: {  	s21 =	sadd.s32 $0xFFFFFFFF, s21;
	[sflag:s4] =	ssyncset.done $0x0  }
.LBB2_1:
0x43: {  	p0 =	sne.s32 s21, $0x1;
	s21 =	sadd.s32 $0xFFFFFFFF, s21;
	[sflag:s4] =	ssyncadd.s32 $0xFFFFE000  }
0x44: {  	[tilespmem:s3], [sflag:$0x2] =	stream.linear.gather [hbm4b:s5+s3], $0x1C0, $0x38;
	[tilespmem:$0x2200] =	vst v63  }
0x45: {  	_ =	swait.ge [sflag:s4], $0x1C0  }
0x46: {  	[sflag:s4] =	ssyncset.done $0x0  }
0x47: {  	[sflag:s4] =	ssyncadd.s32 $0xFFFFFE40  }
0x48: {  	[tilespmem:s7], [sflag:$0x1] =	stream.indirect.gather [hbm4b:s2+s6], $0x80, s3, s6, $0xb8;
	[tilespmem:$0x2200] =	vst v63  }
0x49: {  	_ =	swait.ge [sflag:s8], $0x2000  }
0x4a: {  	[sflag:s8] =	ssyncset.done $0x0  }
0x4b: {  	[sflag:s8] =	ssyncadd.s32 $0xFFFFE000  }
0x4c: {  	[hbm4b:s9+s3] =	stream.linear.scatter [tilespmem:s7], [sflag:$0x2], $0x2000, $0x38;
	[tilespmem:$0x2200] =	vst v63  }
0x4d: {  	_ =	swait.ge [sflag:s4], $0x2000  }
0x4e: {  	[sflag:s4] =	ssyncset.done $0x0  }
0x4f: {  	[sflag:s4] =	ssyncadd.s32 $0xFFFFE000  }
0x50: {  	[tilespmem:s7], [sflag:$0x1] =	stream.indirect.gather [hbm4b:s2+s6], $0x80, s6, s6, $0xb8;
	[tilespmem:$0x2200] =	vst v63  }
0x51: {  	_ =	swait.ge [sflag:s8], $0x2000  }
0x52: {  	[sflag:s8] =	ssyncset.done $0x0  }
0x53: {  	[sflag:s8] =	ssyncadd.s32 $0xFFFFE000  }
0x54: {  	[hbm4b:s10+s3] =	stream.linear.scatter [tilespmem:s7], [sflag:$0x2], $0x2000, $0x38;
	[tilespmem:$0x2200] =	vst v63  }
0x55: {  	_ =	swait.ge [sflag:s4], $0x2000  }
0x56: {  	[sflag:s4] =	ssyncset.done $0x0  }
0x57: {  	[sflag:s4] =	ssyncadd.s32 $0xFFFFE000  }
0x58: {  	[tilespmem:s7], [sflag:$0x1] =	stream.indirect.gather [hbm4b:s2+s6], $0x80, s11, s6, $0xb8;
	[tilespmem:$0x2200] =	vst v63  }
0x59: {  	_ =	swait.ge [sflag:s8], $0x2000  }
0x5a: {  	[sflag:s8] =	ssyncset.done $0x0  }
0x5b: {  	[sflag:s8] =	ssyncadd.s32 $0xFFFFE000  }
0x5c: {  	[hbm4b:s12+s3] =	stream.linear.scatter [tilespmem:s7], [sflag:$0x2], $0x2000, $0x38;
	[tilespmem:$0x2200] =	vst v63  }
0x5d: {  	_ =	swait.ge [sflag:s4], $0x2000  }
0x5e: {  	[sflag:s4] =	ssyncset.done $0x0  }
0x5f: {  	[sflag:s4] =	ssyncadd.s32 $0xFFFFE000  }
0x60: {  	[tilespmem:s7], [sflag:$0x1] =	stream.indirect.gather [hbm4b:s2+s6], $0x80, s13, s6, $0xb8;
	[tilespmem:$0x2200] =	vst v63  }
0x61: {  	_ =	swait.ge [sflag:s8], $0x2000  }
0x62: {  	[sflag:s8] =	ssyncset.done $0x0  }
0x63: {  	[sflag:s8] =	ssyncadd.s32 $0xFFFFE000  }
0x64: {  	[hbm4b:s14+s3] =	stream.linear.scatter [tilespmem:s7], [sflag:$0x2], $0x2000, $0x38;
	[tilespmem:$0x2200] =	vst v63  }
0x65: {  	_ =	swait.ge [sflag:s4], $0x2000  }
0x66: {  	[sflag:s4] =	ssyncset.done $0x0  }
0x67: {  	[sflag:s4] =	ssyncadd.s32 $0xFFFFE000  }
0x68: {  	[tilespmem:s7], [sflag:$0x1] =	stream.indirect.gather [hbm4b:s2+s6], $0x80, s15, s6, $0xb8;
	[tilespmem:$0x2200] =	vst v63  }
0x69: {  	_ =	swait.ge [sflag:s8], $0x2000  }
0x6a: {  	[sflag:s8] =	ssyncset.done $0x0  }
0x6b: {  	[sflag:s8] =	ssyncadd.s32 $0xFFFFE000  }
0x6c: {  	[hbm4b:s16+s3] =	stream.linear.scatter [tilespmem:s7], [sflag:$0x2], $0x2000, $0x38;
	[tilespmem:$0x2200] =	vst v63  }
0x6d: {  	_ =	swait.ge [sflag:s4], $0x2000  }
0x6e: {  	[sflag:s4] =	ssyncset.done $0x0  }
0x6f: {  	[sflag:s4] =	ssyncadd.s32 $0xFFFFE000  }
0x70: {  	[tilespmem:s7], [sflag:$0x1] =	stream.indirect.gather [hbm4b:s2+s6], $0x80, s17, s6, $0xb8;
	[tilespmem:$0x2200] =	vst v63  }
0x71: {  	_ =	swait.ge [sflag:s8], $0x2000  }
0x72: {  	[sflag:s8] =	ssyncset.done $0x0  }
0x73: {  	[sflag:s8] =	ssyncadd.s32 $0xFFFFE000  }
0x74: {  	[hbm4b:s18+s3] =	stream.linear.scatter [tilespmem:s7], [sflag:$0x2], $0x2000, $0x38;
	[tilespmem:$0x2200] =	vst v63  }
0x75: {  	_ =	swait.ge [sflag:s4], $0x2000  }
0x76: {  	[sflag:s4] =	ssyncset.done $0x0  }
0x77: {  	[sflag:s4] =	ssyncadd.s32 $0xFFFFE000  }
0x78: {  	[tilespmem:s7], [sflag:$0x1] =	stream.indirect.gather [hbm4b:s2+s6], $0x80, s19, s6, $0xb8;
	[tilespmem:$0x2200] =	vst v63  }
0x79: {  	_ =	swait.ge [sflag:s8], $0x2000  }
.Ltmp1:
0x7a: {  	[sflag:s8] =	ssyncset.done $0x0;
	(pc) =	sbr.rel @p0 .LBB2_1-.Ltmp1, $4  }
0x7b: {  	[sflag:s8] =	ssyncadd.s32 $0xFFFFE000  }
0x7c: {  	[hbm4b:s20+s3] =	stream.linear.scatter [tilespmem:s7], [sflag:$0x2], $0x2000, $0x38;
	[tilespmem:$0x2200] =	vst v63  }
0x7d: {  	_ =	swait.ge [sflag:s4], $0x2000  }
0x7e: {  	[sflag:s4] =	ssyncset.done $0x0  }
.LBB2_2:
0x7f: {  	[sflag:s4] =	ssyncadd.s32 $0xFFFFE000  }
0x80: {  	_ =	sfence.sel $0x180000  }
0x81: {  	[bflag:$0x0] =	sbarrier.arrive $0xFFFF  }
0x82: {  	p0 =	sne.s32 s0, $0x0;
	_ =	strace $0x90000050  }
0x83: {  	s0 =	sadd.s32 @!p0 $0x100000, s1;
	[bflag:$0x2] =	sbarrier.arrive $0xFFFF  }
0x84: {  	[sflag:s0] =	ssyncadd.tile.s32 @!p0 $0x1;
	_ =	shalt  }
.Lfunc_end2:
_tile_overlayer_lowered:
.L_overlay_start_2:
0x85: {  	(tag) =	ssettag $0x2  }
0x86: {  	s0 =	rddreg [dreg:$0x0];
	s2 =	stileid.u32  }
0x87: {  	s1 =	rddreg [dreg:$0x1];
	p0 =	sne.s32 s2, $0x0  }
0x88: {  	s3 =	rddreg [dreg:$0x2];
	[bflag:$0x3] =	sbarrier.arrive $0xFFFF;
	s2 =	simm.s32 @!p0 $0x1C02  }
0x89: {  	[timem:s3], [sflag:s2] =	dma.local @!p0 [hbm:s0], s1  }
0x8a: {  	s0 =	simm.s32 @!p0 $0x2  }
0x8b: {  	_ =	swait.ge @!p0 [sflag:s0], s1  }
0x8c: {  	s1 =	ssub.s32 @!p0 $0x0, s1;
	[sflag:s0] =	ssyncset.done @!p0 $0x0  }
0x8d: {  	[sflag:s0] =	ssyncadd.s32 @!p0 s1  }
0x8e: {  	[bflag:$0x3] =	sbarrier.arrive $0xFFFF  }
0x8f: {  	_ =	shalt  }

</sc_bundles>
